<compile_context>
chip_gen: v7x
topology: tpu7x:2x2x1
jax: 0.10.2.dev20260603
libtpu: 0.0.44.dev20260713+nightly
codegen_flags: <defaults>
</compile_context>

<pallas_src>
import functools

import jax
import jax.numpy as jnp
from jax import lax
from jax.experimental import pallas as pl
from jax.experimental.pallas import tpu as pltpu
from jax.experimental.pallas import tpu_sc as plsc

B, S, N = 4, 8, 128
D_NODE = 64
NE = N * (N - 1) // 2
C = 32
RH = 256
E = 4096
BS = B * S
NEG = -1e30

_HBM = pl.BlockSpec(memory_space=pltpu.MemorySpace.HBM)
_VMEM = pl.BlockSpec(memory_space=pltpu.MemorySpace.VMEM)


_EPW = E // 32


_ZCH = N * N // 16


def _sc_cnt_kernel(ei_hbm, out_hbm, ei_v, idx_v, ones_v, zero_v,
                   shared, sem):
    cid = lax.axis_index("c")
    sid = lax.axis_index("s")
    base = (cid * 16 + sid) * _EPW

    cp_ei = pltpu.make_async_copy(ei_hbm.at[:, pl.ds(base, _EPW)], ei_v, sem)
    cp_ei.start()

    def zero_body(j, _):
        zero_v[pl.ds(j * 16, 16)] = jnp.zeros((16,), jnp.float32)
        return _
    lax.fori_loop(0, _ZCH // 16, zero_body, None)
    pltpu.sync_copy(zero_v, shared.at[pl.ds(sid * _ZCH, _ZCH)])

    cp_ei.wait()

    def idx_body(i, _):
        s16 = ei_v[0, pl.ds(i * 16, 16)]
        d16 = ei_v[1, pl.ds(i * 16, 16)]
        idx_v[pl.ds(i * 16, 16)] = d16 * N + s16
        ones_v[pl.ds(i * 16, 16)] = jnp.ones((16,), jnp.float32)
        return _
    lax.fori_loop(0, _EPW // 16, idx_body, None)

    plsc.subcore_barrier()
    pltpu.sync_copy(ones_v, shared.at[idx_v], add=True)
    plsc.subcore_barrier()

    @pl.when(sid == 0)
    def _():
        pltpu.sync_copy(shared, out_hbm.at[cid])


def _sc_cnt(edge_index):
    mesh = plsc.VectorSubcoreMesh(core_axis_name="c", subcore_axis_name="s")
    run = functools.partial(
        pl.kernel,
        out_type=jax.ShapeDtypeStruct((2, N * N), jnp.float32),
        mesh=mesh,
        scratch_types=[
            pltpu.VMEM((2, _EPW), jnp.int32),
            pltpu.VMEM((_EPW,), jnp.int32),
            pltpu.VMEM((_EPW,), jnp.float32),
            pltpu.VMEM((_ZCH,), jnp.float32),
            pltpu.VMEM_SHARED((N * N,), jnp.float32),
            pltpu.SemaphoreType.DMA,
        ],
    )(_sc_cnt_kernel)
    return run(edge_index)


def _gat_kernel(xn_hbm, xe_hbm, cnt_ref, wg_hbm, asrc_ref,
                adst_ref, bg_ref, g_ref, xn_v, xe_v, wg_v, sems):
    f32 = jnp.float32

    cp_xn = pltpu.make_async_copy(xn_hbm, xn_v, sems.at[0])
    cp_xe = pltpu.make_async_copy(xe_hbm, xe_v, sems.at[1])
    cp_xn.start()
    cp_xe.start()
    cp_wg = []
    for k in range(4):
        cp = pltpu.make_async_copy(wg_hbm.at[pl.ds(k * 2048, 2048), :],
                                   wg_v.at[pl.ds(k * 2048, 2048), :],
                                   sems.at[2 + k])
        cp.start()
        cp_wg.append(cp)

    eye = (jax.lax.broadcasted_iota(jnp.int32, (N, N), 0)
           == jax.lax.broadcasted_iota(jnp.int32, (N, N), 1)).astype(f32)
    cnt = cnt_ref[0] + cnt_ref[1] + eye
    valid = cnt > 0.0

    for cp in cp_wg:
        cp.wait()
    cp_xn.wait()
    cp_xe.wait()

    wg_node = wg_v[0:D_NODE, :]
    wg_edge = wg_v[D_NODE:, :]
    proj_n = jnp.dot(xn_v[...], wg_node, preferred_element_type=f32)
    proj_e = jnp.dot(xe_v[...], wg_edge, preferred_element_type=f32)

    proj = proj_n.reshape(BS, N, C) + proj_e[:, None, :]

    att_s = asrc_ref[0, :]
    att_d = adst_ref[0, :]
    a_s = jnp.sum(proj * att_s[None, None, :], axis=-1)
    a_d = jnp.sum(proj * att_d[None, None, :], axis=-1)

    smat = a_d[:, :, None] + a_s[:, None, :]
    smat = jnp.where(smat >= 0.0, smat, 0.2 * smat)
    m = jnp.max(jnp.where(valid[None, :, :], smat, NEG), axis=2)
    w = cnt[None, :, :] * jnp.exp(jnp.minimum(smat - m[:, :, None], 0.0))
    p = w / jnp.sum(w, axis=2)[:, :, None]

    bg = bg_ref[0, :]
    for bs in range(BS):
        o = jnp.dot(p[bs], proj[bs], preferred_element_type=f32)
        g_ref[bs * N:(bs + 1) * N, :] = jnp.maximum(o + bg[None, :], 0.0)


NIH = 6
NFC = 8


def _gru_fc_kernel(g_ref, wih_hbm, whh_ref, bih_ref, bhh_ref, wfc_hbm,
                   bfc_ref, out_ref, wih_v, wfc_v, sems):
    f32 = jnp.float32

    cp_ih = []
    for k in range(NIH):
        cp = pltpu.make_async_copy(wih_hbm.at[pl.ds(k * 128, 128), :],
                                   wih_v.at[pl.ds(k * 128, 128), :],
                                   sems.at[k])
        cp.start()
        cp_ih.append(cp)
    cp_fc = []
    for k in range(NFC):
        w = 1024 if k < NFC - 1 else NE - 1024 * (NFC - 1)
        cp = pltpu.make_async_copy(wfc_hbm.at[:, pl.ds(k * 1024, w)],
                                   wfc_v.at[:, pl.ds(k * 1024, w)],
                                   sems.at[NIH + k])
        cp.start()
        cp_fc.append(cp)

    gi_parts = []
    for k in range(NIH):
        cp_ih[k].wait()
        gi_parts.append(jax.lax.dot_general(
            g_ref[...], wih_v[pl.ds(k * 128, 128), :],
            (((1,), (1,)), ((), ())), preferred_element_type=f32))
    gi_all = jnp.concatenate(gi_parts, axis=1) + bih_ref[0, :][None, :]
    gi_all = gi_all.reshape(B, S, 3 * RH)
    bhh = bhh_ref[0, :][None, :]

    h = jnp.zeros((B, RH), dtype=f32)
    for t in range(S):
        gi = gi_all[:, t, :]
        gh = jax.lax.dot_general(
            h, whh_ref[...], (((1,), (1,)), ((), ())),
            preferred_element_type=f32) + bhh
        r = jax.nn.sigmoid(gi[:, 0:RH] + gh[:, 0:RH])
        z = jax.nn.sigmoid(gi[:, RH:2 * RH] + gh[:, RH:2 * RH])
        n = jnp.tanh(gi[:, 2 * RH:] + r * gh[:, 2 * RH:])
        h = (1.0 - z) * n + z * h

    for k in range(NFC):
        w = 1024 if k < NFC - 1 else NE - 1024 * (NFC - 1)
        cp_fc[k].wait()
        out_ref[:, pl.ds(k * 1024, w)] = jnp.dot(
            h, wfc_v[:, pl.ds(k * 1024, w)],
            preferred_element_type=f32) + bfc_ref[0, pl.ds(k * 1024, w)][None, :]


@jax.jit
def kernel(x_node, x_edge, edge_index, W_gat, att_src, att_dst, b_gat,
           W_ih, W_hh, b_ih, b_hh, W_fc, b_fc):
    xn = x_node.reshape(BS * N, D_NODE)
    xe = x_edge.reshape(BS, NE)

    cnt2 = _sc_cnt(edge_index.astype(jnp.int32))
    cnt2 = cnt2.reshape(2, N, N)

    g3 = pl.pallas_call(
        _gat_kernel,
        in_specs=[_HBM, _HBM, _VMEM, _HBM, _VMEM, _VMEM, _VMEM],
        out_shape=jax.ShapeDtypeStruct((BS * N, C), jnp.float32),
        scratch_shapes=[
            pltpu.VMEM((BS * N, D_NODE), jnp.float32),
            pltpu.VMEM((BS, NE), jnp.float32),
            pltpu.VMEM((D_NODE + NE, C), jnp.float32),
            pltpu.SemaphoreType.DMA((6,)),
        ],
        compiler_params=pltpu.CompilerParams(
            vmem_limit_bytes=100 * 1024 * 1024),
    )(xn, xe, cnt2, W_gat,
      att_src.reshape(1, C), att_dst.reshape(1, C), b_gat.reshape(1, C))

    g = g3.reshape(BS, N * C)

    out = pl.pallas_call(
        _gru_fc_kernel,
        in_specs=[_VMEM, _HBM, _VMEM, _VMEM, _VMEM, _HBM, _VMEM],
        out_shape=jax.ShapeDtypeStruct((B, NE), jnp.float32),
        scratch_shapes=[
            pltpu.VMEM((3 * RH, N * C), jnp.float32),
            pltpu.VMEM((RH, NE), jnp.float32),
            pltpu.SemaphoreType.DMA((NIH + NFC,)),
        ],
        compiler_params=pltpu.CompilerParams(
            vmem_limit_bytes=100 * 1024 * 1024),
    )(g, W_ih, W_hh, b_ih.reshape(1, 3 * RH), b_hh.reshape(1, 3 * RH),
      W_fc, b_fc.reshape(1, NE))
    return out

# --- scband reference (transcript-rebuilt; emitter-appended) ---
"""Pipeline reference for scband-gatrnn-30339648979521 (READ-ONLY COPY).

The authoritative reference and input builder live on the scoring server;
editing this copy changes nothing except your own understanding.
"""

import jax, jax.numpy as jnp
import numpy as np

B, S, N = 4, 8, 128
D_NODE = 64
NE = N * (N - 1) // 2
FIN = D_NODE + NE
C = 32
RH = 256
E = 4096


def setup_inputs(seed: int = 0) -> dict:
    key = jax.random.key(seed)
    ks = jax.random.split(key, 14)
    inp = {}
    inp["x_node"] = jax.random.normal(ks[0], (B, S, N, D_NODE), dtype=jnp.float32)
    inp["x_edge"] = jax.random.normal(ks[1], (B, S, NE), dtype=jnp.float32)
    inp["edge_index"] = jax.random.randint(ks[2], (2, E), 0, N)
    inp["W_gat"] = jax.random.normal(ks[3], (FIN, C), dtype=jnp.float32) / np.sqrt(FIN)
    inp["att_src"] = jax.random.normal(ks[4], (C,), dtype=jnp.float32) * 0.1
    inp["att_dst"] = jax.random.normal(ks[5], (C,), dtype=jnp.float32) * 0.1
    inp["b_gat"] = jnp.zeros((C,), dtype=jnp.float32)
    inp["W_ih"] = jax.random.normal(ks[6], (3 * RH, N * C), dtype=jnp.float32) / np.sqrt(N * C)
    inp["W_hh"] = jax.random.normal(ks[7], (3 * RH, RH), dtype=jnp.float32) / np.sqrt(RH)
    inp["b_ih"] = jnp.zeros((3 * RH,), dtype=jnp.float32)
    inp["b_hh"] = jnp.zeros((3 * RH,), dtype=jnp.float32)
    inp["W_fc"] = jax.random.normal(ks[8], (RH, NE), dtype=jnp.float32) / np.sqrt(RH)
    inp["b_fc"] = jnp.zeros((NE,), dtype=jnp.float32)
    return inp


def _gat(x, src, dst, W_gat, att_src, att_dst, b_gat):
    # x: [BS, N, FIN]; PyG GATConv, heads=1, concat=False, add_self_loops=True, eval mode (no dropout)
    proj = x @ W_gat  # [BS, N, C]
    a_s = (proj * att_src).sum(-1)  # [BS, N]
    a_d = (proj * att_dst).sum(-1)  # [BS, N]
    e = jax.nn.leaky_relu(a_s[:, src] + a_d[:, dst], 0.2)  # [BS, E']
    m = jax.lax.stop_gradient(jax.ops.segment_max(e.T, dst, num_segments=N))  # [N, BS]
    e = jnp.exp(e - m[dst].T)
    denom = jax.ops.segment_sum(e.T, dst, num_segments=N)  # [N, BS]
    alpha = e / denom[dst].T  # [BS, E']
    msg = proj[:, src, :] * alpha[:, :, None]  # [BS, E', C]
    out = jax.ops.segment_sum(jnp.transpose(msg, (1, 0, 2)), dst, num_segments=N)  # [N, BS, C]
    out = jnp.transpose(out, (1, 0, 2)) + b_gat
    return jax.nn.relu(out)  # GATLayer applies F.relu


def _gru(x_seq, W_ih, W_hh, b_ih, b_hh):
    h = jnp.zeros((x_seq.shape[0], RH), dtype=x_seq.dtype)
    outs = []
    for t in range(x_seq.shape[1]):
        gi = x_seq[:, t] @ W_ih.T + b_ih
        gh = h @ W_hh.T + b_hh
        i_r, i_z, i_n = jnp.split(gi, 3, axis=-1)
        h_r, h_z, h_n = jnp.split(gh, 3, axis=-1)
        r = jax.nn.sigmoid(i_r + h_r)
        z = jax.nn.sigmoid(i_z + h_z)
        n = jnp.tanh(i_n + r * h_n)
        h = (1.0 - z) * n + z * h
        outs.append(h)
    return jnp.stack(outs, axis=1)


def reference(x_node, x_edge, edge_index, W_gat, att_src, att_dst, b_gat, W_ih, W_hh, b_ih, b_hh, W_fc, b_fc):
    xe = x_edge.reshape(B, S, NE)
    x = jnp.concatenate([x_node, jnp.broadcast_to(xe[:, :, None, :], (B, S, N, NE))], axis=-1)
    xs = x.reshape(B * S, N, FIN)
    loop = jnp.arange(N, dtype=edge_index.dtype)
    src = jnp.concatenate([edge_index[0], loop])
    dst = jnp.concatenate([edge_index[1], loop])
    g = _gat(xs, src, dst, W_gat, att_src, att_dst, b_gat)  # [BS, N, C]
    g = g.reshape(B, S, N * C)
    rnn_out = _gru(g, W_ih, W_hh, b_ih, b_hh)  # [B, S, RH]
    return rnn_out[:, -1] @ W_fc + b_fc  # [B, NE]

if __name__ == "__main__":
    import jax
    _d = setup_inputs()
    print(jax.jit(kernel)(*tuple(_d.values())))

</pallas_src>

<mosaic_0001>
#map = affine_map<(d0, d1) -> (0, 0)>
module attributes {stable_mosaic.version = 14 : i64} {
  func.func @_sc_cnt_kernel(%arg0: i32, %arg1: i32, %arg2: memref<2x4096xi32, #tpu.memory_space<hbm>>, %arg3: memref<2x16384xf32, #tpu.memory_space<hbm>>, %arg4: memref<2x128xi32, #tpu.memory_space<vmem>>, %arg5: memref<128xi32, #tpu.memory_space<vmem>>, %arg6: memref<128xf32, #tpu.memory_space<vmem>>, %arg7: memref<1024xf32, #tpu.memory_space<vmem>>, %arg8: memref<16384xf32, #tpu.memory_space<vmem_shared>>, %arg9: memref<!tpu.dma_semaphore, #tpu.memory_space<semaphore_mem>>) attributes {dimension_semantics = [#tpu.dimension_semantics<core_parallel>, #tpu.dimension_semantics<subcore_parallel>], iteration_bounds = array<i64: 2, 16>, scalar_prefetch = 0 : i64, scratch_operands = 6 : i64, tpu.core_type = #tpu.core_type<sc_vector_subcore>, window_params = [{transform_indices = #map}, {transform_indices = #map}]} {
    %mul3A = arith.constant 16 : i32
    %mul3A_0 = arith.muli %arg0, %mul3A : i32
    %add3A = arith.addi %mul3A_0, %arg1 : i32
    %mul3A_1 = arith.constant 128 : i32
    %mul3A_2 = arith.muli %add3A, %mul3A_1 : i32
    %dma_start3A = arith.constant 0 : i32
    %dma_start3A_3 = tpu.memref_slice %arg2[%dma_start3A, %mul3A_2] : memref<2x4096xi32, #tpu.memory_space<hbm>> -> memref<2x128xi32, #tpu.memory_space<hbm>>
    %dma_start3A_4 = arith.constant 0 : i32
    %dma_start3A_5 = tpu.memref_slice %arg2[%dma_start3A_4, %mul3A_2] : memref<2x4096xi32, #tpu.memory_space<hbm>> -> memref<2x128xi32, #tpu.memory_space<hbm>>
    tpu.enqueue_dma source(%dma_start3A_5 : memref<2x128xi32, #tpu.memory_space<hbm>>) target(%arg4 : memref<2x128xi32, #tpu.memory_space<vmem>>) target_semaphore(%arg9 : memref<!tpu.dma_semaphore, #tpu.memory_space<semaphore_mem>>)
    %scan3A = arith.constant 0 : i32
    %scan3A_6 = arith.constant 64 : i32
    %scan3A_7 = arith.addi %scan3A, %scan3A_6 : i32
    %scan3A_8 = arith.constant 1 : i32
    scf.for %scan3A_23 = %scan3A to %scan3A_7 step %scan3A_8  : i32 {
      %broadcast_in_dim3A = arith.constant 0.000000e+00 : f32
      %broadcast_in_dim3A_24 = vector.broadcast %broadcast_in_dim3A : f32 to vector<16xf32>
      %mul3A_25 = arith.constant 16 : i32
      %mul3A_26 = arith.muli %scan3A_23, %mul3A_25 : i32
      %swap3A = arith.index_cast %mul3A_26 : i32 to index
      %swap3A_27 = tpu.vector_load %arg7[%swap3A] {strides = array<i32>} : memref<1024xf32, #tpu.memory_space<vmem>>, vector<16xf32>,
      %swap3A_28 = vector.shape_cast %swap3A_27 : vector<16xf32> to vector<16xf32>
      %swap3A_29 = vector.shape_cast %broadcast_in_dim3A_24 : vector<16xf32> to vector<16xf32>
      tpu.vector_store %arg7[%swap3A], %swap3A_29 {strides = array<i32>} : memref<1024xf32, #tpu.memory_space<vmem>>, vector<16xf32>,
    }
    %scan3A_9 = arith.constant 64 : i32
    %mul3A_10 = arith.constant 1024 : i32
    %mul3A_11 = arith.muli %arg1, %mul3A_10 : i32
    "tpu.region"() ({
      %run_scoped3A = tpu.sem_alloc : memref<!tpu.dma_semaphore, #tpu.memory_space<semaphore_mem>>
      %dma_start3A_23 = tpu.memref_slice %arg8[%mul3A_11] : memref<16384xf32, #tpu.memory_space<vmem_shared>> -> memref<1024xf32, #tpu.memory_space<vmem_shared>>
      %dma_start3A_24 = tpu.memref_slice %arg8[%mul3A_11] : memref<16384xf32, #tpu.memory_space<vmem_shared>> -> memref<1024xf32, #tpu.memory_space<vmem_shared>>
      tpu.enqueue_dma source(%arg7 : memref<1024xf32, #tpu.memory_space<vmem>>) target(%dma_start3A_24 : memref<1024xf32, #tpu.memory_space<vmem_shared>>) target_semaphore(%run_scoped3A : memref<!tpu.dma_semaphore, #tpu.memory_space<semaphore_mem>>)
      %dma_wait3A_25 = tpu.memref_slice %arg8[%mul3A_11] : memref<16384xf32, #tpu.memory_space<vmem_shared>> -> memref<1024xf32, #tpu.memory_space<vmem_shared>>
      %dma_wait3A_26 = tpu.memref_slice %arg8[%mul3A_11] : memref<16384xf32, #tpu.memory_space<vmem_shared>> -> memref<1024xf32, #tpu.memory_space<vmem_shared>>
      tpu.wait_dma2 semaphore(%run_scoped3A : memref<!tpu.dma_semaphore, #tpu.memory_space<semaphore_mem>>) src(%arg7 : memref<1024xf32, #tpu.memory_space<vmem>>) dst(%dma_wait3A_26 : memref<1024xf32, #tpu.memory_space<vmem_shared>>)
      tpu.yield
    }) : () -> ()
    %dma_wait3A = arith.constant 0 : i32
    %dma_wait3A_12 = tpu.memref_slice %arg2[%dma_wait3A, %mul3A_2] : memref<2x4096xi32, #tpu.memory_space<hbm>> -> memref<2x128xi32, #tpu.memory_space<hbm>>
    %dma_wait3A_13 = arith.constant 0 : i32
    %dma_wait3A_14 = tpu.memref_slice %arg2[%dma_wait3A_13, %mul3A_2] : memref<2x4096xi32, #tpu.memory_space<hbm>> -> memref<2x128xi32, #tpu.memory_space<hbm>>
    tpu.wait_dma2 semaphore(%arg9 : memref<!tpu.dma_semaphore, #tpu.memory_space<semaphore_mem>>) src(%dma_wait3A_14 : memref<2x128xi32, #tpu.memory_space<hbm>>) dst(%arg4 : memref<2x128xi32, #tpu.memory_space<vmem>>)
    %scan3A_15 = arith.constant 0 : i32
    %scan3A_16 = arith.constant 8 : i32
    %scan3A_17 = arith.addi %scan3A_15, %scan3A_16 : i32
    %scan3A_18 = arith.constant 1 : i32
    scf.for %scan3A_23 = %scan3A_15 to %scan3A_17 step %scan3A_18  : i32 {
      %mul3A_24 = arith.constant 16 : i32
      %mul3A_25 = arith.muli %scan3A_23, %mul3A_24 : i32
      %get3A = arith.constant 0 : i32
      %get3A_26 = arith.index_cast %get3A : i32 to index
      %get3A_27 = arith.index_cast %mul3A_25 : i32 to index
      %get3A_28 = tpu.vector_load %arg4[%get3A_26, %get3A_27] {strides = array<i32>} : memref<2x128xi32, #tpu.memory_space<vmem>>, vector<1x16xi32>,
      %get3A_29 = vector.shape_cast %get3A_28 : vector<1x16xi32> to vector<16xi32>
      %mul3A_30 = arith.constant 16 : i32
      %mul3A_31 = arith.muli %scan3A_23, %mul3A_30 : i32
      %get3A_32 = arith.constant 1 : i32
      %get3A_33 = arith.index_cast %get3A_32 : i32 to index
      %get3A_34 = arith.index_cast %mul3A_31 : i32 to index
      %get3A_35 = tpu.vector_load %arg4[%get3A_33, %get3A_34] {strides = array<i32>} : memref<2x128xi32, #tpu.memory_space<vmem>>, vector<1x16xi32>,
      %get3A_36 = vector.shape_cast %get3A_35 : vector<1x16xi32> to vector<16xi32>
      %mul3A_37 = arith.constant 128 : i32
      %mul3A_38 = vector.broadcast %mul3A_37 : i32 to vector<16xi32>
      %mul3A_39 = arith.muli %get3A_36, %mul3A_38 : vector<16xi32>
      %add3A_40 = arith.addi %mul3A_39, %get3A_29 : vector<16xi32>
      %mul3A_41 = arith.constant 16 : i32
      %mul3A_42 = arith.muli %scan3A_23, %mul3A_41 : i32
      %swap3A = arith.index_cast %mul3A_42 : i32 to index
      %swap3A_43 = tpu.vector_load %arg5[%swap3A] {strides = array<i32>} : memref<128xi32, #tpu.memory_space<vmem>>, vector<16xi32>,
      %swap3A_44 = vector.shape_cast %swap3A_43 : vector<16xi32> to vector<16xi32>
      %swap3A_45 = vector.shape_cast %add3A_40 : vector<16xi32> to vector<16xi32>
      tpu.vector_store %arg5[%swap3A], %swap3A_45 {strides = array<i32>} : memref<128xi32, #tpu.memory_space<vmem>>, vector<16xi32>,
      %broadcast_in_dim3A = arith.constant 1.000000e+00 : f32
      %broadcast_in_dim3A_46 = vector.broadcast %broadcast_in_dim3A : f32 to vector<16xf32>
      %mul3A_47 = arith.constant 16 : i32
      %mul3A_48 = arith.muli %scan3A_23, %mul3A_47 : i32
      %swap3A_49 = arith.index_cast %mul3A_48 : i32 to index
      %swap3A_50 = tpu.vector_load %arg6[%swap3A_49] {strides = array<i32>} : memref<128xf32, #tpu.memory_space<vmem>>, vector<16xf32>,
      %swap3A_51 = vector.shape_cast %swap3A_50 : vector<16xf32> to vector<16xf32>
      %swap3A_52 = vector.shape_cast %broadcast_in_dim3A_46 : vector<16xf32> to vector<16xf32>
      tpu.vector_store %arg6[%swap3A_49], %swap3A_52 {strides = array<i32>} : memref<128xf32, #tpu.memory_space<vmem>>, vector<16xf32>,
    }
    %scan3A_19 = arith.constant 8 : i32
    %barrier3A = arith.constant 0 : index
    tpu.barrier barrier_id(%barrier3A)
    "tpu.region"() ({
      %run_scoped3A = tpu.sem_alloc : memref<!tpu.dma_semaphore, #tpu.memory_space<semaphore_mem>>
      %dma_start3A_23 = arith.constant 0 : i32
      %dma_start3A_24 = tpu.memref_slice %arg8[%dma_start3A_23] : memref<16384xf32, #tpu.memory_space<vmem_shared>> -> memref<16384xf32, #tpu.memory_space<vmem_shared>>
      tpu.enqueue_indirect_dma source(%arg6 : memref<128xf32, #tpu.memory_space<vmem>>) target(%dma_start3A_24 : memref<16384xf32, #tpu.memory_space<vmem_shared>>) offsets(%arg5 : memref<128xi32, #tpu.memory_space<vmem>>) semaphore(%run_scoped3A : memref<!tpu.dma_semaphore, #tpu.memory_space<semaphore_mem>>) {add = true}
      %dma_wait3A_25 = arith.constant 0 : i32
      %dma_wait3A_26 = tpu.memref_slice %arg8[%dma_wait3A_25] : memref<16384xf32, #tpu.memory_space<vmem_shared>> -> memref<16384xf32, #tpu.memory_space<vmem_shared>>
      tpu.wait_indirect_dma semaphore(%run_scoped3A : memref<!tpu.dma_semaphore, #tpu.memory_space<semaphore_mem>>) src(%arg6 : memref<128xf32, #tpu.memory_space<vmem>>) dst(%dma_wait3A_26 : memref<16384xf32, #tpu.memory_space<vmem_shared>>)
      tpu.yield
    }) : () -> ()
    %barrier3A_20 = arith.constant 0 : index
    tpu.barrier barrier_id(%barrier3A_20)
    %eq3A = arith.constant 0 : i32
    %eq3A_21 = arith.cmpi eq, %arg1, %eq3A : i32
    %convert_element_type3A = arith.extui %eq3A_21 : i1 to i32
    %cond3A = arith.constant 0 : i32
    %cond3A_22 = arith.cmpi ne, %convert_element_type3A, %cond3A : i32
    scf.if %cond3A_22 {
      "tpu.region"() ({
        %run_scoped3A = tpu.sem_alloc : memref<!tpu.dma_semaphore, #tpu.memory_space<semaphore_mem>>
        %dma_start3A_23 = arith.constant 0 : i32
        %dma_start3A_24 = tpu.memref_slice %arg3[%arg0, %dma_start3A_23] : memref<2x16384xf32, #tpu.memory_space<hbm>> -> memref<1x16384xf32, #tpu.memory_space<hbm>>
        %dma_start3A_25 = tpu.memref_squeeze %dma_start3A_24 : memref<1x16384xf32, #tpu.memory_space<hbm>> -> memref<16384xf32, #tpu.memory_space<hbm>>
        tpu.enqueue_dma source(%arg8 : memref<16384xf32, #tpu.memory_space<vmem_shared>>) target(%dma_start3A_25 : memref<16384xf32, #tpu.memory_space<hbm>>) target_semaphore(%run_scoped3A : memref<!tpu.dma_semaphore, #tpu.memory_space<semaphore_mem>>)
        %dma_wait3A_26 = arith.constant 0 : i32
        %dma_wait3A_27 = tpu.memref_slice %arg3[%arg0, %dma_wait3A_26] : memref<2x16384xf32, #tpu.memory_space<hbm>> -> memref<1x16384xf32, #tpu.memory_space<hbm>>
        %dma_wait3A_28 = tpu.memref_squeeze %dma_wait3A_27 : memref<1x16384xf32, #tpu.memory_space<hbm>> -> memref<16384xf32, #tpu.memory_space<hbm>>
        tpu.wait_dma2 semaphore(%run_scoped3A : memref<!tpu.dma_semaphore, #tpu.memory_space<semaphore_mem>>) src(%arg8 : memref<16384xf32, #tpu.memory_space<vmem_shared>>) dst(%dma_wait3A_28 : memref<16384xf32, #tpu.memory_space<hbm>>)
        tpu.yield
      }) : () -> ()
    } else {
    }
    return
  }
}

module attributes {stable_mosaic.version = 14 : i64} {
  func.func @_gat_kernel(%arg0: memref<4096x64xf32, #tpu.memory_space<hbm>>, %arg1: memref<32x8128xf32, #tpu.memory_space<hbm>>, %arg2: memref<2x128x128xf32, #tpu.memory_space<vmem>>, %arg3: memref<8192x32xf32, #tpu.memory_space<hbm>>, %arg4: memref<1x32xf32, #tpu.memory_space<vmem>>, %arg5: memref<1x32xf32, #tpu.memory_space<vmem>>, %arg6: memref<1x32xf32, #tpu.memory_space<vmem>>, %arg7: memref<4096x32xf32, #tpu.memory_space<vmem>>, %arg8: memref<4096x64xf32, #tpu.memory_space<vmem>>, %arg9: memref<32x8128xf32, #tpu.memory_space<vmem>>, %arg10: memref<8192x32xf32, #tpu.memory_space<vmem>>, %arg11: memref<6x!tpu.dma_semaphore, #tpu.memory_space<semaphore_mem>>) attributes {dimension_semantics = [], scalar_prefetch = 0 : i64, scratch_operands = 4 : i64, tpu.core_type = #tpu.core_type<tc>} {
    %dma_start3A = arith.constant 0 : i32
    %dma_start3A_0 = tpu.memref_slice %arg11[%dma_start3A] : memref<6x!tpu.dma_semaphore, #tpu.memory_space<semaphore_mem>> -> memref<1x!tpu.dma_semaphore, #tpu.memory_space<semaphore_mem>>
    %dma_start3A_1 = tpu.memref_squeeze %dma_start3A_0 : memref<1x!tpu.dma_semaphore, #tpu.memory_space<semaphore_mem>> -> memref<!tpu.dma_semaphore, #tpu.memory_space<semaphore_mem>>
    tpu.enqueue_dma source(%arg0 : memref<4096x64xf32, #tpu.memory_space<hbm>>) target(%arg8 : memref<4096x64xf32, #tpu.memory_space<vmem>>) target_semaphore(%dma_start3A_1 : memref<!tpu.dma_semaphore, #tpu.memory_space<semaphore_mem>>)
    %dma_start3A_2 = arith.constant 1 : i32
    %dma_start3A_3 = tpu.memref_slice %arg11[%dma_start3A_2] : memref<6x!tpu.dma_semaphore, #tpu.memory_space<semaphore_mem>> -> memref<1x!tpu.dma_semaphore, #tpu.memory_space<semaphore_mem>>
    %dma_start3A_4 = tpu.memref_squeeze %dma_start3A_3 : memref<1x!tpu.dma_semaphore, #tpu.memory_space<semaphore_mem>> -> memref<!tpu.dma_semaphore, #tpu.memory_space<semaphore_mem>>
    tpu.enqueue_dma source(%arg1 : memref<32x8128xf32, #tpu.memory_space<hbm>>) target(%arg9 : memref<32x8128xf32, #tpu.memory_space<vmem>>) target_semaphore(%dma_start3A_4 : memref<!tpu.dma_semaphore, #tpu.memory_space<semaphore_mem>>)
    %dma_start3A_5 = arith.constant 2 : i32
    %dma_start3A_6 = tpu.memref_slice %arg11[%dma_start3A_5] : memref<6x!tpu.dma_semaphore, #tpu.memory_space<semaphore_mem>> -> memref<1x!tpu.dma_semaphore, #tpu.memory_space<semaphore_mem>>
    %dma_start3A_7 = tpu.memref_squeeze %dma_start3A_6 : memref<1x!tpu.dma_semaphore, #tpu.memory_space<semaphore_mem>> -> memref<!tpu.dma_semaphore, #tpu.memory_space<semaphore_mem>>
    %dma_start3A_8 = arith.constant 0 : i32
    %dma_start3A_9 = arith.constant 0 : i32
    %dma_start3A_10 = tpu.memref_slice %arg10[%dma_start3A_8, %dma_start3A_9] : memref<8192x32xf32, #tpu.memory_space<vmem>> -> memref<2048x32xf32, #tpu.memory_space<vmem>>
    %dma_start3A_11 = arith.constant 0 : i32
    %dma_start3A_12 = arith.constant 0 : i32
    %dma_start3A_13 = tpu.memref_slice %arg3[%dma_start3A_11, %dma_start3A_12] : memref<8192x32xf32, #tpu.memory_space<hbm>> -> memref<2048x32xf32, #tpu.memory_space<hbm>>
    tpu.enqueue_dma source(%dma_start3A_13 : memref<2048x32xf32, #tpu.memory_space<hbm>>) target(%dma_start3A_10 : memref<2048x32xf32, #tpu.memory_space<vmem>>) target_semaphore(%dma_start3A_7 : memref<!tpu.dma_semaphore, #tpu.memory_space<semaphore_mem>>)
    %dma_start3A_14 = arith.constant 3 : i32
    %dma_start3A_15 = tpu.memref_slice %arg11[%dma_start3A_14] : memref<6x!tpu.dma_semaphore, #tpu.memory_space<semaphore_mem>> -> memref<1x!tpu.dma_semaphore, #tpu.memory_space<semaphore_mem>>
    %dma_start3A_16 = tpu.memref_squeeze %dma_start3A_15 : memref<1x!tpu.dma_semaphore, #tpu.memory_space<semaphore_mem>> -> memref<!tpu.dma_semaphore, #tpu.memory_space<semaphore_mem>>
    %dma_start3A_17 = arith.constant 2048 : i32
    %dma_start3A_18 = arith.constant 0 : i32
    %dma_start3A_19 = tpu.memref_slice %arg10[%dma_start3A_17, %dma_start3A_18] : memref<8192x32xf32, #tpu.memory_space<vmem>> -> memref<2048x32xf32, #tpu.memory_space<vmem>>
    %dma_start3A_20 = arith.constant 2048 : i32
    %dma_start3A_21 = arith.constant 0 : i32
    %dma_start3A_22 = tpu.memref_slice %arg3[%dma_start3A_20, %dma_start3A_21] : memref<8192x32xf32, #tpu.memory_space<hbm>> -> memref<2048x32xf32, #tpu.memory_space<hbm>>
    tpu.enqueue_dma source(%dma_start3A_22 : memref<2048x32xf32, #tpu.memory_space<hbm>>) target(%dma_start3A_19 : memref<2048x32xf32, #tpu.memory_space<vmem>>) target_semaphore(%dma_start3A_16 : memref<!tpu.dma_semaphore, #tpu.memory_space<semaphore_mem>>)
    %dma_start3A_23 = arith.constant 4 : i32
    %dma_start3A_24 = tpu.memref_slice %arg11[%dma_start3A_23] : memref<6x!tpu.dma_semaphore, #tpu.memory_space<semaphore_mem>> -> memref<1x!tpu.dma_semaphore, #tpu.memory_space<semaphore_mem>>
    %dma_start3A_25 = tpu.memref_squeeze %dma_start3A_24 : memref<1x!tpu.dma_semaphore, #tpu.memory_space<semaphore_mem>> -> memref<!tpu.dma_semaphore, #tpu.memory_space<semaphore_mem>>
    %dma_start3A_26 = arith.constant 4096 : i32
    %dma_start3A_27 = arith.constant 0 : i32
    %dma_start3A_28 = tpu.memref_slice %arg10[%dma_start3A_26, %dma_start3A_27] : memref<8192x32xf32, #tpu.memory_space<vmem>> -> memref<2048x32xf32, #tpu.memory_space<vmem>>
    %dma_start3A_29 = arith.constant 4096 : i32
    %dma_start3A_30 = arith.constant 0 : i32
    %dma_start3A_31 = tpu.memref_slice %arg3[%dma_start3A_29, %dma_start3A_30] : memref<8192x32xf32, #tpu.memory_space<hbm>> -> memref<2048x32xf32, #tpu.memory_space<hbm>>
    tpu.enqueue_dma source(%dma_start3A_31 : memref<2048x32xf32, #tpu.memory_space<hbm>>) target(%dma_start3A_28 : memref<2048x32xf32, #tpu.memory_space<vmem>>) target_semaphore(%dma_start3A_25 : memref<!tpu.dma_semaphore, #tpu.memory_space<semaphore_mem>>)
    %dma_start3A_32 = arith.constant 5 : i32
    %dma_start3A_33 = tpu.memref_slice %arg11[%dma_start3A_32] : memref<6x!tpu.dma_semaphore, #tpu.memory_space<semaphore_mem>> -> memref<1x!tpu.dma_semaphore, #tpu.memory_space<semaphore_mem>>
    %dma_start3A_34 = tpu.memref_squeeze %dma_start3A_33 : memref<1x!tpu.dma_semaphore, #tpu.memory_space<semaphore_mem>> -> memref<!tpu.dma_semaphore, #tpu.memory_space<semaphore_mem>>
    %dma_start3A_35 = arith.constant 6144 : i32
    %dma_start3A_36 = arith.constant 0 : i32
    %dma_start3A_37 = tpu.memref_slice %arg10[%dma_start3A_35, %dma_start3A_36] : memref<8192x32xf32, #tpu.memory_space<vmem>> -> memref<2048x32xf32, #tpu.memory_space<vmem>>
    %dma_start3A_38 = arith.constant 6144 : i32
    %dma_start3A_39 = arith.constant 0 : i32
    %dma_start3A_40 = tpu.memref_slice %arg3[%dma_start3A_38, %dma_start3A_39] : memref<8192x32xf32, #tpu.memory_space<hbm>> -> memref<2048x32xf32, #tpu.memory_space<hbm>>
    tpu.enqueue_dma source(%dma_start3A_40 : memref<2048x32xf32, #tpu.memory_space<hbm>>) target(%dma_start3A_37 : memref<2048x32xf32, #tpu.memory_space<vmem>>) target_semaphore(%dma_start3A_34 : memref<!tpu.dma_semaphore, #tpu.memory_space<semaphore_mem>>)
    %iota3A = tpu.iota {dimensions = array<i32: 0>} : vector<128x128xi32>
    %iota3A_41 = tpu.iota {dimensions = array<i32: 1>} : vector<128x128xi32>
    %eq3A = arith.cmpi eq, %iota3A, %iota3A_41 : vector<128x128xi32>
    %convert_element_type3A = arith.extui %eq3A : vector<128x128xi1> to vector<128x128xi32>
    %convert_element_type3A_42 = arith.sitofp %convert_element_type3A : vector<128x128xi32> to vector<128x128xf32>
    %get3A = arith.constant 0 : index
    %get3A_43 = arith.constant 0 : index
    %get3A_44 = arith.constant 0 : index
    %get3A_45 = vector.load %arg2[%get3A, %get3A_43, %get3A_44] : memref<2x128x128xf32, #tpu.memory_space<vmem>>, vector<1x128x128xf32>
    %get3A_46 = vector.shape_cast %get3A_45 : vector<1x128x128xf32> to vector<128x128xf32>
    %get3A_47 = arith.constant 1 : index
    %get3A_48 = arith.constant 0 : index
    %get3A_49 = arith.constant 0 : index
    %get3A_50 = vector.load %arg2[%get3A_47, %get3A_48, %get3A_49] : memref<2x128x128xf32, #tpu.memory_space<vmem>>, vector<1x128x128xf32>
    %get3A_51 = vector.shape_cast %get3A_50 : vector<1x128x128xf32> to vector<128x128xf32>
    %add3A = arith.addf %get3A_46, %get3A_51 : vector<128x128xf32>
    %add3A_52 = arith.addf %add3A, %convert_element_type3A_42 : vector<128x128xf32>
    %gt3A = arith.constant 0.000000e+00 : f32
    %gt3A_53 = vector.broadcast %gt3A : f32 to vector<128x128xf32>
    %gt3A_54 = arith.cmpf ogt, %add3A_52, %gt3A_53 : vector<128x128xf32>
    %dma_wait3A = arith.constant 2 : i32
    %dma_wait3A_55 = tpu.memref_slice %arg11[%dma_wait3A] : memref<6x!tpu.dma_semaphore, #tpu.memory_space<semaphore_mem>> -> memref<1x!tpu.dma_semaphore, #tpu.memory_space<semaphore_mem>>
    %dma_wait3A_56 = tpu.memref_squeeze %dma_wait3A_55 : memref<1x!tpu.dma_semaphore, #tpu.memory_space<semaphore_mem>> -> memref<!tpu.dma_semaphore, #tpu.memory_space<semaphore_mem>>
    %dma_wait3A_57 = arith.constant 0 : i32
    %dma_wait3A_58 = arith.constant 0 : i32
    %dma_wait3A_59 = tpu.memref_slice %arg10[%dma_wait3A_57, %dma_wait3A_58] : memref<8192x32xf32, #tpu.memory_space<vmem>> -> memref<2048x32xf32, #tpu.memory_space<vmem>>
    %dma_wait3A_60 = arith.constant 0 : i32
    %dma_wait3A_61 = arith.constant 0 : i32
    %dma_wait3A_62 = tpu.memref_slice %arg3[%dma_wait3A_60, %dma_wait3A_61] : memref<8192x32xf32, #tpu.memory_space<hbm>> -> memref<2048x32xf32, #tpu.memory_space<hbm>>
    tpu.wait_dma2 semaphore(%dma_wait3A_56 : memref<!tpu.dma_semaphore, #tpu.memory_space<semaphore_mem>>) src(%dma_wait3A_62 : memref<2048x32xf32, #tpu.memory_space<hbm>>) dst(%dma_wait3A_59 : memref<2048x32xf32, #tpu.memory_space<vmem>>)
    %dma_wait3A_63 = arith.constant 3 : i32
    %dma_wait3A_64 = tpu.memref_slice %arg11[%dma_wait3A_63] : memref<6x!tpu.dma_semaphore, #tpu.memory_space<semaphore_mem>> -> memref<1x!tpu.dma_semaphore, #tpu.memory_space<semaphore_mem>>
    %dma_wait3A_65 = tpu.memref_squeeze %dma_wait3A_64 : memref<1x!tpu.dma_semaphore, #tpu.memory_space<semaphore_mem>> -> memref<!tpu.dma_semaphore, #tpu.memory_space<semaphore_mem>>
    %dma_wait3A_66 = arith.constant 2048 : i32
    %dma_wait3A_67 = arith.constant 0 : i32
    %dma_wait3A_68 = tpu.memref_slice %arg10[%dma_wait3A_66, %dma_wait3A_67] : memref<8192x32xf32, #tpu.memory_space<vmem>> -> memref<2048x32xf32, #tpu.memory_space<vmem>>
    %dma_wait3A_69 = arith.constant 2048 : i32
    %dma_wait3A_70 = arith.constant 0 : i32
    %dma_wait3A_71 = tpu.memref_slice %arg3[%dma_wait3A_69, %dma_wait3A_70] : memref<8192x32xf32, #tpu.memory_space<hbm>> -> memref<2048x32xf32, #tpu.memory_space<hbm>>
    tpu.wait_dma2 semaphore(%dma_wait3A_65 : memref<!tpu.dma_semaphore, #tpu.memory_space<semaphore_mem>>) src(%dma_wait3A_71 : memref<2048x32xf32, #tpu.memory_space<hbm>>) dst(%dma_wait3A_68 : memref<2048x32xf32, #tpu.memory_space<vmem>>)
    %dma_wait3A_72 = arith.constant 4 : i32
    %dma_wait3A_73 = tpu.memref_slice %arg11[%dma_wait3A_72] : memref<6x!tpu.dma_semaphore, #tpu.memory_space<semaphore_mem>> -> memref<1x!tpu.dma_semaphore, #tpu.memory_space<semaphore_mem>>
    %dma_wait3A_74 = tpu.memref_squeeze %dma_wait3A_73 : memref<1x!tpu.dma_semaphore, #tpu.memory_space<semaphore_mem>> -> memref<!tpu.dma_semaphore, #tpu.memory_space<semaphore_mem>>
    %dma_wait3A_75 = arith.constant 4096 : i32
    %dma_wait3A_76 = arith.constant 0 : i32
    %dma_wait3A_77 = tpu.memref_slice %arg10[%dma_wait3A_75, %dma_wait3A_76] : memref<8192x32xf32, #tpu.memory_space<vmem>> -> memref<2048x32xf32, #tpu.memory_space<vmem>>
    %dma_wait3A_78 = arith.constant 4096 : i32
    %dma_wait3A_79 = arith.constant 0 : i32
    %dma_wait3A_80 = tpu.memref_slice %arg3[%dma_wait3A_78, %dma_wait3A_79] : memref<8192x32xf32, #tpu.memory_space<hbm>> -> memref<2048x32xf32, #tpu.memory_space<hbm>>
    tpu.wait_dma2 semaphore(%dma_wait3A_74 : memref<!tpu.dma_semaphore, #tpu.memory_space<semaphore_mem>>) src(%dma_wait3A_80 : memref<2048x32xf32, #tpu.memory_space<hbm>>) dst(%dma_wait3A_77 : memref<2048x32xf32, #tpu.memory_space<vmem>>)
    %dma_wait3A_81 = arith.constant 5 : i32
    %dma_wait3A_82 = tpu.memref_slice %arg11[%dma_wait3A_81] : memref<6x!tpu.dma_semaphore, #tpu.memory_space<semaphore_mem>> -> memref<1x!tpu.dma_semaphore, #tpu.memory_space<semaphore_mem>>
    %dma_wait3A_83 = tpu.memref_squeeze %dma_wait3A_82 : memref<1x!tpu.dma_semaphore, #tpu.memory_space<semaphore_mem>> -> memref<!tpu.dma_semaphore, #tpu.memory_space<semaphore_mem>>
    %dma_wait3A_84 = arith.constant 6144 : i32
    %dma_wait3A_85 = arith.constant 0 : i32
    %dma_wait3A_86 = tpu.memref_slice %arg10[%dma_wait3A_84, %dma_wait3A_85] : memref<8192x32xf32, #tpu.memory_space<vmem>> -> memref<2048x32xf32, #tpu.memory_space<vmem>>
    %dma_wait3A_87 = arith.constant 6144 : i32
    %dma_wait3A_88 = arith.constant 0 : i32
    %dma_wait3A_89 = tpu.memref_slice %arg3[%dma_wait3A_87, %dma_wait3A_88] : memref<8192x32xf32, #tpu.memory_space<hbm>> -> memref<2048x32xf32, #tpu.memory_space<hbm>>
    tpu.wait_dma2 semaphore(%dma_wait3A_83 : memref<!tpu.dma_semaphore, #tpu.memory_space<semaphore_mem>>) src(%dma_wait3A_89 : memref<2048x32xf32, #tpu.memory_space<hbm>>) dst(%dma_wait3A_86 : memref<2048x32xf32, #tpu.memory_space<vmem>>)
    %dma_wait3A_90 = arith.constant 0 : i32
    %dma_wait3A_91 = tpu.memref_slice %arg11[%dma_wait3A_90] : memref<6x!tpu.dma_semaphore, #tpu.memory_space<semaphore_mem>> -> memref<1x!tpu.dma_semaphore, #tpu.memory_space<semaphore_mem>>
    %dma_wait3A_92 = tpu.memref_squeeze %dma_wait3A_91 : memref<1x!tpu.dma_semaphore, #tpu.memory_space<semaphore_mem>> -> memref<!tpu.dma_semaphore, #tpu.memory_space<semaphore_mem>>
    tpu.wait_dma2 semaphore(%dma_wait3A_92 : memref<!tpu.dma_semaphore, #tpu.memory_space<semaphore_mem>>) src(%arg0 : memref<4096x64xf32, #tpu.memory_space<hbm>>) dst(%arg8 : memref<4096x64xf32, #tpu.memory_space<vmem>>)
    %dma_wait3A_93 = arith.constant 1 : i32
    %dma_wait3A_94 = tpu.memref_slice %arg11[%dma_wait3A_93] : memref<6x!tpu.dma_semaphore, #tpu.memory_space<semaphore_mem>> -> memref<1x!tpu.dma_semaphore, #tpu.memory_space<semaphore_mem>>
    %dma_wait3A_95 = tpu.memref_squeeze %dma_wait3A_94 : memref<1x!tpu.dma_semaphore, #tpu.memory_space<semaphore_mem>> -> memref<!tpu.dma_semaphore, #tpu.memory_space<semaphore_mem>>
    tpu.wait_dma2 semaphore(%dma_wait3A_95 : memref<!tpu.dma_semaphore, #tpu.memory_space<semaphore_mem>>) src(%arg1 : memref<32x8128xf32, #tpu.memory_space<hbm>>) dst(%arg9 : memref<32x8128xf32, #tpu.memory_space<vmem>>)
    %get3A_96 = arith.constant 0 : index
    %get3A_97 = arith.constant 0 : index
    %get3A_98 = vector.load %arg10[%get3A_96, %get3A_97] : memref<8192x32xf32, #tpu.memory_space<vmem>>, vector<64x32xf32>
    %get3A_99 = arith.constant 64 : index
    %get3A_100 = arith.constant 0 : index
    %get3A_101 = vector.load %arg10[%get3A_99, %get3A_100] : memref<8192x32xf32, #tpu.memory_space<vmem>>, vector<8128x32xf32>
    %get3A_102 = arith.constant 0 : index
    %get3A_103 = arith.constant 0 : index
    %get3A_104 = vector.load %arg8[%get3A_102, %get3A_103] : memref<4096x64xf32, #tpu.memory_space<vmem>>, vector<4096x64xf32>
    %dot_general3A = arith.constant dense<0.000000e+00> : vector<4096x32xf32>
    %dot_general3A_105 = tpu.matmul %get3A_104, %get3A_98, %dot_general3A {dimension_numbers = #tpu.dot_dimension_numbers<[1], [0], [0], [1], [0, 0, 1, 1], [], []>, transpose_lhs_hint = false} : vector<4096x64xf32>, vector<64x32xf32>, vector<4096x32xf32> -> vector<4096x32xf32>
    %get3A_106 = arith.constant 0 : index
    %get3A_107 = arith.constant 0 : index
    %get3A_108 = vector.load %arg9[%get3A_106, %get3A_107] : memref<32x8128xf32, #tpu.memory_space<vmem>>, vector<32x8128xf32>
    %dot_general3A_109 = arith.constant dense<0.000000e+00> : vector<32x32xf32>
    %dot_general3A_110 = tpu.matmul %get3A_108, %get3A_101, %dot_general3A_109 {dimension_numbers = #tpu.dot_dimension_numbers<[1], [0], [0], [1], [0, 0, 1, 1], [], []>, transpose_lhs_hint = false} : vector<32x8128xf32>, vector<8128x32xf32>, vector<32x32xf32> -> vector<32x32xf32>
    %reshape3A = vector.shape_cast %dot_general3A_105 : vector<4096x32xf32> to vector<32x128x32xf32>
    %broadcast_in_dim3A = vector.shape_cast %dot_general3A_110 : vector<32x32xf32> to vector<32x1x32xf32>
    %add3A_111 = vector.broadcast %broadcast_in_dim3A : vector<32x1x32xf32> to vector<32x128x32xf32>
    %add3A_112 = arith.addf %reshape3A, %add3A_111 : vector<32x128x32xf32>
    %get3A_113 = arith.constant 0 : index
    %get3A_114 = arith.constant 0 : index
    %get3A_115 = vector.load %arg4[%get3A_113, %get3A_114] : memref<1x32xf32, #tpu.memory_space<vmem>>, vector<1x32xf32>
    %get3A_116 = vector.shape_cast %get3A_115 : vector<1x32xf32> to vector<32xf32>
    %get3A_117 = arith.constant 0 : index
    %get3A_118 = arith.constant 0 : index
    %get3A_119 = vector.load %arg5[%get3A_117, %get3A_118] : memref<1x32xf32, #tpu.memory_space<vmem>>, vector<1x32xf32>
    %get3A_120 = vector.shape_cast %get3A_119 : vector<1x32xf32> to vector<32xf32>
    %broadcast_in_dim3A_121 = vector.shape_cast %get3A_116 : vector<32xf32> to vector<1x1x32xf32>
    %mul3A = vector.broadcast %broadcast_in_dim3A_121 : vector<1x1x32xf32> to vector<32x128x32xf32>
    %mul3A_122 = arith.mulf %add3A_112, %mul3A : vector<32x128x32xf32>
    %reduce_sum3A = arith.constant dense<0.000000e+00> : vector<32x128xf32>
    %reduce_sum3A_123 = vector.multi_reduction <add>, %mul3A_122, %reduce_sum3A [2] : vector<32x128x32xf32> to vector<32x128xf32>
    %broadcast_in_dim3A_124 = vector.shape_cast %get3A_120 : vector<32xf32> to vector<1x1x32xf32>
    %mul3A_125 = vector.broadcast %broadcast_in_dim3A_124 : vector<1x1x32xf32> to vector<32x128x32xf32>
    %mul3A_126 = arith.mulf %add3A_112, %mul3A_125 : vector<32x128x32xf32>
    %reduce_sum3A_127 = arith.constant dense<0.000000e+00> : vector<32x128xf32>
    %reduce_sum3A_128 = vector.multi_reduction <add>, %mul3A_126, %reduce_sum3A_127 [2] : vector<32x128x32xf32> to vector<32x128xf32>
    %broadcast_in_dim3A_129 = vector.shape_cast %reduce_sum3A_128 : vector<32x128xf32> to vector<32x128x1xf32>
    %broadcast_in_dim3A_130 = vector.shape_cast %reduce_sum3A_123 : vector<32x128xf32> to vector<32x1x128xf32>
    %add3A_131 = vector.broadcast %broadcast_in_dim3A_129 : vector<32x128x1xf32> to vector<32x128x128xf32>
    %add3A_132 = vector.broadcast %broadcast_in_dim3A_130 : vector<32x1x128xf32> to vector<32x128x128xf32>
    %add3A_133 = arith.addf %add3A_131, %add3A_132 : vector<32x128x128xf32>
    %ge3A = arith.constant 0.000000e+00 : f32
    %ge3A_134 = vector.broadcast %ge3A : f32 to vector<32x128x128xf32>
    %ge3A_135 = arith.cmpf oge, %add3A_133, %ge3A_134 : vector<32x128x128xf32>
    %mul3A_136 = arith.constant 2.000000e-01 : f32
    %mul3A_137 = vector.broadcast %mul3A_136 : f32 to vector<32x128x128xf32>
    %mul3A_138 = arith.mulf %mul3A_137, %add3A_133 : vector<32x128x128xf32>
    %select_n3A = arith.select %ge3A_135, %add3A_133, %mul3A_138 : vector<32x128x128xi1>, vector<32x128x128xf32>
    %broadcast_in_dim3A_139 = vector.shape_cast %gt3A_54 : vector<128x128xi1> to vector<1x128x128xi1>
    %jit3A = arith.constant -1.000000e+30 : f32
    %broadcast_in_dim3A_140 = vector.shape_cast %broadcast_in_dim3A_139 : vector<1x128x128xi1> to vector<1x128x128xi1>
    %broadcast_in_dim3A_141 = vector.broadcast %broadcast_in_dim3A_140 : vector<1x128x128xi1> to vector<32x128x128xi1>
    %broadcast_in_dim3A_142 = vector.broadcast %jit3A : f32 to vector<32x128x128xf32>
    %select_n3A_143 = arith.select %broadcast_in_dim3A_141, %select_n3A, %broadcast_in_dim3A_142 : vector<32x128x128xi1>, vector<32x128x128xf32>
    %reduce_max3A = arith.constant dense<0xFF800000> : vector<32x128xf32>
    %reduce_max3A_144 = vector.multi_reduction <maximumf>, %select_n3A_143, %reduce_max3A [2] : vector<32x128x128xf32> to vector<32x128xf32>
    %broadcast_in_dim3A_145 = vector.shape_cast %add3A_52 : vector<128x128xf32> to vector<1x128x128xf32>
    %broadcast_in_dim3A_146 = vector.shape_cast %reduce_max3A_144 : vector<32x128xf32> to vector<32x128x1xf32>
    %sub3A = vector.broadcast %broadcast_in_dim3A_146 : vector<32x128x1xf32> to vector<32x128x128xf32>
    %sub3A_147 = arith.subf %select_n3A, %sub3A : vector<32x128x128xf32>
    %min3A = arith.constant 0.000000e+00 : f32
    %min3A_148 = vector.broadcast %min3A : f32 to vector<32x128x128xf32>
    %min3A_149 = arith.minimumf %sub3A_147, %min3A_148 : vector<32x128x128xf32>
    %exp3A = math.exp %min3A_149 : vector<32x128x128xf32>
    %mul3A_150 = vector.broadcast %broadcast_in_dim3A_145 : vector<1x128x128xf32> to vector<32x128x128xf32>
    %mul3A_151 = arith.mulf %mul3A_150, %exp3A : vector<32x128x128xf32>
    %reduce_sum3A_152 = arith.constant dense<0.000000e+00> : vector<32x128xf32>
    %reduce_sum3A_153 = vector.multi_reduction <add>, %mul3A_151, %reduce_sum3A_152 [2] : vector<32x128x128xf32> to vector<32x128xf32>
    %broadcast_in_dim3A_154 = vector.shape_cast %reduce_sum3A_153 : vector<32x128xf32> to vector<32x128x1xf32>
    %div3A = vector.broadcast %broadcast_in_dim3A_154 : vector<32x128x1xf32> to vector<32x128x128xf32>
    %div3A_155 = arith.divf %mul3A_151, %div3A : vector<32x128x128xf32>
    %get3A_156 = arith.constant 0 : index
    %get3A_157 = arith.constant 0 : index
    %get3A_158 = vector.load %arg6[%get3A_156, %get3A_157] : memref<1x32xf32, #tpu.memory_space<vmem>>, vector<1x32xf32>
    %get3A_159 = vector.shape_cast %get3A_158 : vector<1x32xf32> to vector<32xf32>
    %slice3A = vector.extract_strided_slice %div3A_155 {offsets = [0, 0, 0], sizes = [1, 128, 128], strides = [1, 1, 1]} : vector<32x128x128xf32> to vector<1x128x128xf32>
    %squeeze3A = vector.shape_cast %slice3A : vector<1x128x128xf32> to vector<128x128xf32>
    %slice3A_160 = vector.extract_strided_slice %add3A_112 {offsets = [0, 0, 0], sizes = [1, 128, 32], strides = [1, 1, 1]} : vector<32x128x32xf32> to vector<1x128x32xf32>
    %squeeze3A_161 = vector.shape_cast %slice3A_160 : vector<1x128x32xf32> to vector<128x32xf32>
    %dot_general3A_162 = arith.constant dense<0.000000e+00> : vector<128x32xf32>
    %dot_general3A_163 = tpu.matmul %squeeze3A, %squeeze3A_161, %dot_general3A_162 {dimension_numbers = #tpu.dot_dimension_numbers<[1], [0], [0], [1], [0, 0, 1, 1], [], []>, transpose_lhs_hint = false} : vector<128x128xf32>, vector<128x32xf32>, vector<128x32xf32> -> vector<128x32xf32>
    %broadcast_in_dim3A_164 = vector.shape_cast %get3A_159 : vector<32xf32> to vector<1x32xf32>
    %add3A_165 = vector.broadcast %broadcast_in_dim3A_164 : vector<1x32xf32> to vector<128x32xf32>
    %add3A_166 = arith.addf %dot_general3A_163, %add3A_165 : vector<128x32xf32>
    %max3A = arith.constant 0.000000e+00 : f32
    %max3A_167 = vector.broadcast %max3A : f32 to vector<128x32xf32>
    %max3A_168 = arith.maximumf %add3A_166, %max3A_167 : vector<128x32xf32>
    %swap3A = arith.constant 0 : index
    %swap3A_169 = arith.constant 0 : index
    %swap3A_170 = vector.load %arg7[%swap3A, %swap3A_169] : memref<4096x32xf32, #tpu.memory_space<vmem>>, vector<128x32xf32>
    tpu.vector_store %arg7[%swap3A, %swap3A_169], %max3A_168 {strides = array<i32>} : memref<4096x32xf32, #tpu.memory_space<vmem>>, vector<128x32xf32>,
    %slice3A_171 = vector.extract_strided_slice %div3A_155 {offsets = [1, 0, 0], sizes = [1, 128, 128], strides = [1, 1, 1]} : vector<32x128x128xf32> to vector<1x128x128xf32>
    %squeeze3A_172 = vector.shape_cast %slice3A_171 : vector<1x128x128xf32> to vector<128x128xf32>
    %slice3A_173 = vector.extract_strided_slice %add3A_112 {offsets = [1, 0, 0], sizes = [1, 128, 32], strides = [1, 1, 1]} : vector<32x128x32xf32> to vector<1x128x32xf32>
    %squeeze3A_174 = vector.shape_cast %slice3A_173 : vector<1x128x32xf32> to vector<128x32xf32>
    %dot_general3A_175 = arith.constant dense<0.000000e+00> : vector<128x32xf32>
    %dot_general3A_176 = tpu.matmul %squeeze3A_172, %squeeze3A_174, %dot_general3A_175 {dimension_numbers = #tpu.dot_dimension_numbers<[1], [0], [0], [1], [0, 0, 1, 1], [], []>, transpose_lhs_hint = false} : vector<128x128xf32>, vector<128x32xf32>, vector<128x32xf32> -> vector<128x32xf32>
    %broadcast_in_dim3A_177 = vector.shape_cast %get3A_159 : vector<32xf32> to vector<1x32xf32>
    %add3A_178 = vector.broadcast %broadcast_in_dim3A_177 : vector<1x32xf32> to vector<128x32xf32>
    %add3A_179 = arith.addf %dot_general3A_176, %add3A_178 : vector<128x32xf32>
    %max3A_180 = arith.constant 0.000000e+00 : f32
    %max3A_181 = vector.broadcast %max3A_180 : f32 to vector<128x32xf32>
    %max3A_182 = arith.maximumf %add3A_179, %max3A_181 : vector<128x32xf32>
    %swap3A_183 = arith.constant 128 : index
    %swap3A_184 = arith.constant 0 : index
    %swap3A_185 = vector.load %arg7[%swap3A_183, %swap3A_184] : memref<4096x32xf32, #tpu.memory_space<vmem>>, vector<128x32xf32>
    tpu.vector_store %arg7[%swap3A_183, %swap3A_184], %max3A_182 {strides = array<i32>} : memref<4096x32xf32, #tpu.memory_space<vmem>>, vector<128x32xf32>,
    %slice3A_186 = vector.extract_strided_slice %div3A_155 {offsets = [2, 0, 0], sizes = [1, 128, 128], strides = [1, 1, 1]} : vector<32x128x128xf32> to vector<1x128x128xf32>
    %squeeze3A_187 = vector.shape_cast %slice3A_186 : vector<1x128x128xf32> to vector<128x128xf32>
    %slice3A_188 = vector.extract_strided_slice %add3A_112 {offsets = [2, 0, 0], sizes = [1, 128, 32], strides = [1, 1, 1]} : vector<32x128x32xf32> to vector<1x128x32xf32>
    %squeeze3A_189 = vector.shape_cast %slice3A_188 : vector<1x128x32xf32> to vector<128x32xf32>
    %dot_general3A_190 = arith.constant dense<0.000000e+00> : vector<128x32xf32>
    %dot_general3A_191 = tpu.matmul %squeeze3A_187, %squeeze3A_189, %dot_general3A_190 {dimension_numbers = #tpu.dot_dimension_numbers<[1], [0], [0], [1], [0, 0, 1, 1], [], []>, transpose_lhs_hint = false} : vector<128x128xf32>, vector<128x32xf32>, vector<128x32xf32> -> vector<128x32xf32>
    %broadcast_in_dim3A_192 = vector.shape_cast %get3A_159 : vector<32xf32> to vector<1x32xf32>
    %add3A_193 = vector.broadcast %broadcast_in_dim3A_192 : vector<1x32xf32> to vector<128x32xf32>
    %add3A_194 = arith.addf %dot_general3A_191, %add3A_193 : vector<128x32xf32>
    %max3A_195 = arith.constant 0.000000e+00 : f32
    %max3A_196 = vector.broadcast %max3A_195 : f32 to vector<128x32xf32>
    %max3A_197 = arith.maximumf %add3A_194, %max3A_196 : vector<128x32xf32>
    %swap3A_198 = arith.constant 256 : index
    %swap3A_199 = arith.constant 0 : index
    %swap3A_200 = vector.load %arg7[%swap3A_198, %swap3A_199] : memref<4096x32xf32, #tpu.memory_space<vmem>>, vector<128x32xf32>
    tpu.vector_store %arg7[%swap3A_198, %swap3A_199], %max3A_197 {strides = array<i32>} : memref<4096x32xf32, #tpu.memory_space<vmem>>, vector<128x32xf32>,
    %slice3A_201 = vector.extract_strided_slice %div3A_155 {offsets = [3, 0, 0], sizes = [1, 128, 128], strides = [1, 1, 1]} : vector<32x128x128xf32> to vector<1x128x128xf32>
    %squeeze3A_202 = vector.shape_cast %slice3A_201 : vector<1x128x128xf32> to vector<128x128xf32>
    %slice3A_203 = vector.extract_strided_slice %add3A_112 {offsets = [3, 0, 0], sizes = [1, 128, 32], strides = [1, 1, 1]} : vector<32x128x32xf32> to vector<1x128x32xf32>
    %squeeze3A_204 = vector.shape_cast %slice3A_203 : vector<1x128x32xf32> to vector<128x32xf32>
    %dot_general3A_205 = arith.constant dense<0.000000e+00> : vector<128x32xf32>
    %dot_general3A_206 = tpu.matmul %squeeze3A_202, %squeeze3A_204, %dot_general3A_205 {dimension_numbers = #tpu.dot_dimension_numbers<[1], [0], [0], [1], [0, 0, 1, 1], [], []>, transpose_lhs_hint = false} : vector<128x128xf32>, vector<128x32xf32>, vector<128x32xf32> -> vector<128x32xf32>
    %broadcast_in_dim3A_207 = vector.shape_cast %get3A_159 : vector<32xf32> to vector<1x32xf32>
    %add3A_208 = vector.broadcast %broadcast_in_dim3A_207 : vector<1x32xf32> to vector<128x32xf32>
    %add3A_209 = arith.addf %dot_general3A_206, %add3A_208 : vector<128x32xf32>
    %max3A_210 = arith.constant 0.000000e+00 : f32
    %max3A_211 = vector.broadcast %max3A_210 : f32 to vector<128x32xf32>
    %max3A_212 = arith.maximumf %add3A_209, %max3A_211 : vector<128x32xf32>
    %swap3A_213 = arith.constant 384 : index
    %swap3A_214 = arith.constant 0 : index
    %swap3A_215 = vector.load %arg7[%swap3A_213, %swap3A_214] : memref<4096x32xf32, #tpu.memory_space<vmem>>, vector<128x32xf32>
    tpu.vector_store %arg7[%swap3A_213, %swap3A_214], %max3A_212 {strides = array<i32>} : memref<4096x32xf32, #tpu.memory_space<vmem>>, vector<128x32xf32>,
    %slice3A_216 = vector.extract_strided_slice %div3A_155 {offsets = [4, 0, 0], sizes = [1, 128, 128], strides = [1, 1, 1]} : vector<32x128x128xf32> to vector<1x128x128xf32>
    %squeeze3A_217 = vector.shape_cast %slice3A_216 : vector<1x128x128xf32> to vector<128x128xf32>
    %slice3A_218 = vector.extract_strided_slice %add3A_112 {offsets = [4, 0, 0], sizes = [1, 128, 32], strides = [1, 1, 1]} : vector<32x128x32xf32> to vector<1x128x32xf32>
    %squeeze3A_219 = vector.shape_cast %slice3A_218 : vector<1x128x32xf32> to vector<128x32xf32>
    %dot_general3A_220 = arith.constant dense<0.000000e+00> : vector<128x32xf32>
    %dot_general3A_221 = tpu.matmul %squeeze3A_217, %squeeze3A_219, %dot_general3A_220 {dimension_numbers = #tpu.dot_dimension_numbers<[1], [0], [0], [1], [0, 0, 1, 1], [], []>, transpose_lhs_hint = false} : vector<128x128xf32>, vector<128x32xf32>, vector<128x32xf32> -> vector<128x32xf32>
    %broadcast_in_dim3A_222 = vector.shape_cast %get3A_159 : vector<32xf32> to vector<1x32xf32>
    %add3A_223 = vector.broadcast %broadcast_in_dim3A_222 : vector<1x32xf32> to vector<128x32xf32>
    %add3A_224 = arith.addf %dot_general3A_221, %add3A_223 : vector<128x32xf32>
    %max3A_225 = arith.constant 0.000000e+00 : f32
    %max3A_226 = vector.broadcast %max3A_225 : f32 to vector<128x32xf32>
    %max3A_227 = arith.maximumf %add3A_224, %max3A_226 : vector<128x32xf32>
    %swap3A_228 = arith.constant 512 : index
    %swap3A_229 = arith.constant 0 : index
    %swap3A_230 = vector.load %arg7[%swap3A_228, %swap3A_229] : memref<4096x32xf32, #tpu.memory_space<vmem>>, vector<128x32xf32>
    tpu.vector_store %arg7[%swap3A_228, %swap3A_229], %max3A_227 {strides = array<i32>} : memref<4096x32xf32, #tpu.memory_space<vmem>>, vector<128x32xf32>,
    %slice3A_231 = vector.extract_strided_slice %div3A_155 {offsets = [5, 0, 0], sizes = [1, 128, 128], strides = [1, 1, 1]} : vector<32x128x128xf32> to vector<1x128x128xf32>
    %squeeze3A_232 = vector.shape_cast %slice3A_231 : vector<1x128x128xf32> to vector<128x128xf32>
    %slice3A_233 = vector.extract_strided_slice %add3A_112 {offsets = [5, 0, 0], sizes = [1, 128, 32], strides = [1, 1, 1]} : vector<32x128x32xf32> to vector<1x128x32xf32>
    %squeeze3A_234 = vector.shape_cast %slice3A_233 : vector<1x128x32xf32> to vector<128x32xf32>
    %dot_general3A_235 = arith.constant dense<0.000000e+00> : vector<128x32xf32>
    %dot_general3A_236 = tpu.matmul %squeeze3A_232, %squeeze3A_234, %dot_general3A_235 {dimension_numbers = #tpu.dot_dimension_numbers<[1], [0], [0], [1], [0, 0, 1, 1], [], []>, transpose_lhs_hint = false} : vector<128x128xf32>, vector<128x32xf32>, vector<128x32xf32> -> vector<128x32xf32>
    %broadcast_in_dim3A_237 = vector.shape_cast %get3A_159 : vector<32xf32> to vector<1x32xf32>
    %add3A_238 = vector.broadcast %broadcast_in_dim3A_237 : vector<1x32xf32> to vector<128x32xf32>
    %add3A_239 = arith.addf %dot_general3A_236, %add3A_238 : vector<128x32xf32>
    %max3A_240 = arith.constant 0.000000e+00 : f32
    %max3A_241 = vector.broadcast %max3A_240 : f32 to vector<128x32xf32>
    %max3A_242 = arith.maximumf %add3A_239, %max3A_241 : vector<128x32xf32>
    %swap3A_243 = arith.constant 640 : index
    %swap3A_244 = arith.constant 0 : index
    %swap3A_245 = vector.load %arg7[%swap3A_243, %swap3A_244] : memref<4096x32xf32, #tpu.memory_space<vmem>>, vector<128x32xf32>
    tpu.vector_store %arg7[%swap3A_243, %swap3A_244], %max3A_242 {strides = array<i32>} : memref<4096x32xf32, #tpu.memory_space<vmem>>, vector<128x32xf32>,
    %slice3A_246 = vector.extract_strided_slice %div3A_155 {offsets = [6, 0, 0], sizes = [1, 128, 128], strides = [1, 1, 1]} : vector<32x128x128xf32> to vector<1x128x128xf32>
    %squeeze3A_247 = vector.shape_cast %slice3A_246 : vector<1x128x128xf32> to vector<128x128xf32>
    %slice3A_248 = vector.extract_strided_slice %add3A_112 {offsets = [6, 0, 0], sizes = [1, 128, 32], strides = [1, 1, 1]} : vector<32x128x32xf32> to vector<1x128x32xf32>
    %squeeze3A_249 = vector.shape_cast %slice3A_248 : vector<1x128x32xf32> to vector<128x32xf32>
    %dot_general3A_250 = arith.constant dense<0.000000e+00> : vector<128x32xf32>
    %dot_general3A_251 = tpu.matmul %squeeze3A_247, %squeeze3A_249, %dot_general3A_250 {dimension_numbers = #tpu.dot_dimension_numbers<[1], [0], [0], [1], [0, 0, 1, 1], [], []>, transpose_lhs_hint = false} : vector<128x128xf32>, vector<128x32xf32>, vector<128x32xf32> -> vector<128x32xf32>
    %broadcast_in_dim3A_252 = vector.shape_cast %get3A_159 : vector<32xf32> to vector<1x32xf32>
    %add3A_253 = vector.broadcast %broadcast_in_dim3A_252 : vector<1x32xf32> to vector<128x32xf32>
    %add3A_254 = arith.addf %dot_general3A_251, %add3A_253 : vector<128x32xf32>
    %max3A_255 = arith.constant 0.000000e+00 : f32
    %max3A_256 = vector.broadcast %max3A_255 : f32 to vector<128x32xf32>
    %max3A_257 = arith.maximumf %add3A_254, %max3A_256 : vector<128x32xf32>
    %swap3A_258 = arith.constant 768 : index
    %swap3A_259 = arith.constant 0 : index
    %swap3A_260 = vector.load %arg7[%swap3A_258, %swap3A_259] : memref<4096x32xf32, #tpu.memory_space<vmem>>, vector<128x32xf32>
    tpu.vector_store %arg7[%swap3A_258, %swap3A_259], %max3A_257 {strides = array<i32>} : memref<4096x32xf32, #tpu.memory_space<vmem>>, vector<128x32xf32>,
    %slice3A_261 = vector.extract_strided_slice %div3A_155 {offsets = [7, 0, 0], sizes = [1, 128, 128], strides = [1, 1, 1]} : vector<32x128x128xf32> to vector<1x128x128xf32>
    %squeeze3A_262 = vector.shape_cast %slice3A_261 : vector<1x128x128xf32> to vector<128x128xf32>
    %slice3A_263 = vector.extract_strided_slice %add3A_112 {offsets = [7, 0, 0], sizes = [1, 128, 32], strides = [1, 1, 1]} : vector<32x128x32xf32> to vector<1x128x32xf32>
    %squeeze3A_264 = vector.shape_cast %slice3A_263 : vector<1x128x32xf32> to vector<128x32xf32>
    %dot_general3A_265 = arith.constant dense<0.000000e+00> : vector<128x32xf32>
    %dot_general3A_266 = tpu.matmul %squeeze3A_262, %squeeze3A_264, %dot_general3A_265 {dimension_numbers = #tpu.dot_dimension_numbers<[1], [0], [0], [1], [0, 0, 1, 1], [], []>, transpose_lhs_hint = false} : vector<128x128xf32>, vector<128x32xf32>, vector<128x32xf32> -> vector<128x32xf32>
    %broadcast_in_dim3A_267 = vector.shape_cast %get3A_159 : vector<32xf32> to vector<1x32xf32>
    %add3A_268 = vector.broadcast %broadcast_in_dim3A_267 : vector<1x32xf32> to vector<128x32xf32>
    %add3A_269 = arith.addf %dot_general3A_266, %add3A_268 : vector<128x32xf32>
    %max3A_270 = arith.constant 0.000000e+00 : f32
    %max3A_271 = vector.broadcast %max3A_270 : f32 to vector<128x32xf32>
    %max3A_272 = arith.maximumf %add3A_269, %max3A_271 : vector<128x32xf32>
    %swap3A_273 = arith.constant 896 : index
    %swap3A_274 = arith.constant 0 : index
    %swap3A_275 = vector.load %arg7[%swap3A_273, %swap3A_274] : memref<4096x32xf32, #tpu.memory_space<vmem>>, vector<128x32xf32>
    tpu.vector_store %arg7[%swap3A_273, %swap3A_274], %max3A_272 {strides = array<i32>} : memref<4096x32xf32, #tpu.memory_space<vmem>>, vector<128x32xf32>,
    %slice3A_276 = vector.extract_strided_slice %div3A_155 {offsets = [8, 0, 0], sizes = [1, 128, 128], strides = [1, 1, 1]} : vector<32x128x128xf32> to vector<1x128x128xf32>
    %squeeze3A_277 = vector.shape_cast %slice3A_276 : vector<1x128x128xf32> to vector<128x128xf32>
    %slice3A_278 = vector.extract_strided_slice %add3A_112 {offsets = [8, 0, 0], sizes = [1, 128, 32], strides = [1, 1, 1]} : vector<32x128x32xf32> to vector<1x128x32xf32>
    %squeeze3A_279 = vector.shape_cast %slice3A_278 : vector<1x128x32xf32> to vector<128x32xf32>
    %dot_general3A_280 = arith.constant dense<0.000000e+00> : vector<128x32xf32>
    %dot_general3A_281 = tpu.matmul %squeeze3A_277, %squeeze3A_279, %dot_general3A_280 {dimension_numbers = #tpu.dot_dimension_numbers<[1], [0], [0], [1], [0, 0, 1, 1], [], []>, transpose_lhs_hint = false} : vector<128x128xf32>, vector<128x32xf32>, vector<128x32xf32> -> vector<128x32xf32>
    %broadcast_in_dim3A_282 = vector.shape_cast %get3A_159 : vector<32xf32> to vector<1x32xf32>
    %add3A_283 = vector.broadcast %broadcast_in_dim3A_282 : vector<1x32xf32> to vector<128x32xf32>
    %add3A_284 = arith.addf %dot_general3A_281, %add3A_283 : vector<128x32xf32>
    %max3A_285 = arith.constant 0.000000e+00 : f32
    %max3A_286 = vector.broadcast %max3A_285 : f32 to vector<128x32xf32>
    %max3A_287 = arith.maximumf %add3A_284, %max3A_286 : vector<128x32xf32>
    %swap3A_288 = arith.constant 1024 : index
    %swap3A_289 = arith.constant 0 : index
    %swap3A_290 = vector.load %arg7[%swap3A_288, %swap3A_289] : memref<4096x32xf32, #tpu.memory_space<vmem>>, vector<128x32xf32>
    tpu.vector_store %arg7[%swap3A_288, %swap3A_289], %max3A_287 {strides = array<i32>} : memref<4096x32xf32, #tpu.memory_space<vmem>>, vector<128x32xf32>,
    %slice3A_291 = vector.extract_strided_slice %div3A_155 {offsets = [9, 0, 0], sizes = [1, 128, 128], strides = [1, 1, 1]} : vector<32x128x128xf32> to vector<1x128x128xf32>
    %squeeze3A_292 = vector.shape_cast %slice3A_291 : vector<1x128x128xf32> to vector<128x128xf32>
    %slice3A_293 = vector.extract_strided_slice %add3A_112 {offsets = [9, 0, 0], sizes = [1, 128, 32], strides = [1, 1, 1]} : vector<32x128x32xf32> to vector<1x128x32xf32>
    %squeeze3A_294 = vector.shape_cast %slice3A_293 : vector<1x128x32xf32> to vector<128x32xf32>
    %dot_general3A_295 = arith.constant dense<0.000000e+00> : vector<128x32xf32>
    %dot_general3A_296 = tpu.matmul %squeeze3A_292, %squeeze3A_294, %dot_general3A_295 {dimension_numbers = #tpu.dot_dimension_numbers<[1], [0], [0], [1], [0, 0, 1, 1], [], []>, transpose_lhs_hint = false} : vector<128x128xf32>, vector<128x32xf32>, vector<128x32xf32> -> vector<128x32xf32>
    %broadcast_in_dim3A_297 = vector.shape_cast %get3A_159 : vector<32xf32> to vector<1x32xf32>
    %add3A_298 = vector.broadcast %broadcast_in_dim3A_297 : vector<1x32xf32> to vector<128x32xf32>
    %add3A_299 = arith.addf %dot_general3A_296, %add3A_298 : vector<128x32xf32>
    %max3A_300 = arith.constant 0.000000e+00 : f32
    %max3A_301 = vector.broadcast %max3A_300 : f32 to vector<128x32xf32>
    %max3A_302 = arith.maximumf %add3A_299, %max3A_301 : vector<128x32xf32>
    %swap3A_303 = arith.constant 1152 : index
    %swap3A_304 = arith.constant 0 : index
    %swap3A_305 = vector.load %arg7[%swap3A_303, %swap3A_304] : memref<4096x32xf32, #tpu.memory_space<vmem>>, vector<128x32xf32>
    tpu.vector_store %arg7[%swap3A_303, %swap3A_304], %max3A_302 {strides = array<i32>} : memref<4096x32xf32, #tpu.memory_space<vmem>>, vector<128x32xf32>,
    %slice3A_306 = vector.extract_strided_slice %div3A_155 {offsets = [10, 0, 0], sizes = [1, 128, 128], strides = [1, 1, 1]} : vector<32x128x128xf32> to vector<1x128x128xf32>
    %squeeze3A_307 = vector.shape_cast %slice3A_306 : vector<1x128x128xf32> to vector<128x128xf32>
    %slice3A_308 = vector.extract_strided_slice %add3A_112 {offsets = [10, 0, 0], sizes = [1, 128, 32], strides = [1, 1, 1]} : vector<32x128x32xf32> to vector<1x128x32xf32>
    %squeeze3A_309 = vector.shape_cast %slice3A_308 : vector<1x128x32xf32> to vector<128x32xf32>
    %dot_general3A_310 = arith.constant dense<0.000000e+00> : vector<128x32xf32>
    %dot_general3A_311 = tpu.matmul %squeeze3A_307, %squeeze3A_309, %dot_general3A_310 {dimension_numbers = #tpu.dot_dimension_numbers<[1], [0], [0], [1], [0, 0, 1, 1], [], []>, transpose_lhs_hint = false} : vector<128x128xf32>, vector<128x32xf32>, vector<128x32xf32> -> vector<128x32xf32>
    %broadcast_in_dim3A_312 = vector.shape_cast %get3A_159 : vector<32xf32> to vector<1x32xf32>
    %add3A_313 = vector.broadcast %broadcast_in_dim3A_312 : vector<1x32xf32> to vector<128x32xf32>
    %add3A_314 = arith.addf %dot_general3A_311, %add3A_313 : vector<128x32xf32>
    %max3A_315 = arith.constant 0.000000e+00 : f32
    %max3A_316 = vector.broadcast %max3A_315 : f32 to vector<128x32xf32>
    %max3A_317 = arith.maximumf %add3A_314, %max3A_316 : vector<128x32xf32>
    %swap3A_318 = arith.constant 1280 : index
    %swap3A_319 = arith.constant 0 : index
    %swap3A_320 = vector.load %arg7[%swap3A_318, %swap3A_319] : memref<4096x32xf32, #tpu.memory_space<vmem>>, vector<128x32xf32>
    tpu.vector_store %arg7[%swap3A_318, %swap3A_319], %max3A_317 {strides = array<i32>} : memref<4096x32xf32, #tpu.memory_space<vmem>>, vector<128x32xf32>,
    %slice3A_321 = vector.extract_strided_slice %div3A_155 {offsets = [11, 0, 0], sizes = [1, 128, 128], strides = [1, 1, 1]} : vector<32x128x128xf32> to vector<1x128x128xf32>
    %squeeze3A_322 = vector.shape_cast %slice3A_321 : vector<1x128x128xf32> to vector<128x128xf32>
    %slice3A_323 = vector.extract_strided_slice %add3A_112 {offsets = [11, 0, 0], sizes = [1, 128, 32], strides = [1, 1, 1]} : vector<32x128x32xf32> to vector<1x128x32xf32>
    %squeeze3A_324 = vector.shape_cast %slice3A_323 : vector<1x128x32xf32> to vector<128x32xf32>
    %dot_general3A_325 = arith.constant dense<0.000000e+00> : vector<128x32xf32>
    %dot_general3A_326 = tpu.matmul %squeeze3A_322, %squeeze3A_324, %dot_general3A_325 {dimension_numbers = #tpu.dot_dimension_numbers<[1], [0], [0], [1], [0, 0, 1, 1], [], []>, transpose_lhs_hint = false} : vector<128x128xf32>, vector<128x32xf32>, vector<128x32xf32> -> vector<128x32xf32>
    %broadcast_in_dim3A_327 = vector.shape_cast %get3A_159 : vector<32xf32> to vector<1x32xf32>
    %add3A_328 = vector.broadcast %broadcast_in_dim3A_327 : vector<1x32xf32> to vector<128x32xf32>
    %add3A_329 = arith.addf %dot_general3A_326, %add3A_328 : vector<128x32xf32>
    %max3A_330 = arith.constant 0.000000e+00 : f32
    %max3A_331 = vector.broadcast %max3A_330 : f32 to vector<128x32xf32>
    %max3A_332 = arith.maximumf %add3A_329, %max3A_331 : vector<128x32xf32>
    %swap3A_333 = arith.constant 1408 : index
    %swap3A_334 = arith.constant 0 : index
    %swap3A_335 = vector.load %arg7[%swap3A_333, %swap3A_334] : memref<4096x32xf32, #tpu.memory_space<vmem>>, vector<128x32xf32>
    tpu.vector_store %arg7[%swap3A_333, %swap3A_334], %max3A_332 {strides = array<i32>} : memref<4096x32xf32, #tpu.memory_space<vmem>>, vector<128x32xf32>,
    %slice3A_336 = vector.extract_strided_slice %div3A_155 {offsets = [12, 0, 0], sizes = [1, 128, 128], strides = [1, 1, 1]} : vector<32x128x128xf32> to vector<1x128x128xf32>
    %squeeze3A_337 = vector.shape_cast %slice3A_336 : vector<1x128x128xf32> to vector<128x128xf32>
    %slice3A_338 = vector.extract_strided_slice %add3A_112 {offsets = [12, 0, 0], sizes = [1, 128, 32], strides = [1, 1, 1]} : vector<32x128x32xf32> to vector<1x128x32xf32>
    %squeeze3A_339 = vector.shape_cast %slice3A_338 : vector<1x128x32xf32> to vector<128x32xf32>
    %dot_general3A_340 = arith.constant dense<0.000000e+00> : vector<128x32xf32>
    %dot_general3A_341 = tpu.matmul %squeeze3A_337, %squeeze3A_339, %dot_general3A_340 {dimension_numbers = #tpu.dot_dimension_numbers<[1], [0], [0], [1], [0, 0, 1, 1], [], []>, transpose_lhs_hint = false} : vector<128x128xf32>, vector<128x32xf32>, vector<128x32xf32> -> vector<128x32xf32>
    %broadcast_in_dim3A_342 = vector.shape_cast %get3A_159 : vector<32xf32> to vector<1x32xf32>
    %add3A_343 = vector.broadcast %broadcast_in_dim3A_342 : vector<1x32xf32> to vector<128x32xf32>
    %add3A_344 = arith.addf %dot_general3A_341, %add3A_343 : vector<128x32xf32>
    %max3A_345 = arith.constant 0.000000e+00 : f32
    %max3A_346 = vector.broadcast %max3A_345 : f32 to vector<128x32xf32>
    %max3A_347 = arith.maximumf %add3A_344, %max3A_346 : vector<128x32xf32>
    %swap3A_348 = arith.constant 1536 : index
    %swap3A_349 = arith.constant 0 : index
    %swap3A_350 = vector.load %arg7[%swap3A_348, %swap3A_349] : memref<4096x32xf32, #tpu.memory_space<vmem>>, vector<128x32xf32>
    tpu.vector_store %arg7[%swap3A_348, %swap3A_349], %max3A_347 {strides = array<i32>} : memref<4096x32xf32, #tpu.memory_space<vmem>>, vector<128x32xf32>,
    %slice3A_351 = vector.extract_strided_slice %div3A_155 {offsets = [13, 0, 0], sizes = [1, 128, 128], strides = [1, 1, 1]} : vector<32x128x128xf32> to vector<1x128x128xf32>
    %squeeze3A_352 = vector.shape_cast %slice3A_351 : vector<1x128x128xf32> to vector<128x128xf32>
    %slice3A_353 = vector.extract_strided_slice %add3A_112 {offsets = [13, 0, 0], sizes = [1, 128, 32], strides = [1, 1, 1]} : vector<32x128x32xf32> to vector<1x128x32xf32>
    %squeeze3A_354 = vector.shape_cast %slice3A_353 : vector<1x128x32xf32> to vector<128x32xf32>
    %dot_general3A_355 = arith.constant dense<0.000000e+00> : vector<128x32xf32>
    %dot_general3A_356 = tpu.matmul %squeeze3A_352, %squeeze3A_354, %dot_general3A_355 {dimension_numbers = #tpu.dot_dimension_numbers<[1], [0], [0], [1], [0, 0, 1, 1], [], []>, transpose_lhs_hint = false} : vector<128x128xf32>, vector<128x32xf32>, vector<128x32xf32> -> vector<128x32xf32>
    %broadcast_in_dim3A_357 = vector.shape_cast %get3A_159 : vector<32xf32> to vector<1x32xf32>
    %add3A_358 = vector.broadcast %broadcast_in_dim3A_357 : vector<1x32xf32> to vector<128x32xf32>
    %add3A_359 = arith.addf %dot_general3A_356, %add3A_358 : vector<128x32xf32>
    %max3A_360 = arith.constant 0.000000e+00 : f32
    %max3A_361 = vector.broadcast %max3A_360 : f32 to vector<128x32xf32>
    %max3A_362 = arith.maximumf %add3A_359, %max3A_361 : vector<128x32xf32>
    %swap3A_363 = arith.constant 1664 : index
    %swap3A_364 = arith.constant 0 : index
    %swap3A_365 = vector.load %arg7[%swap3A_363, %swap3A_364] : memref<4096x32xf32, #tpu.memory_space<vmem>>, vector<128x32xf32>
    tpu.vector_store %arg7[%swap3A_363, %swap3A_364], %max3A_362 {strides = array<i32>} : memref<4096x32xf32, #tpu.memory_space<vmem>>, vector<128x32xf32>,
    %slice3A_366 = vector.extract_strided_slice %div3A_155 {offsets = [14, 0, 0], sizes = [1, 128, 128], strides = [1, 1, 1]} : vector<32x128x128xf32> to vector<1x128x128xf32>
    %squeeze3A_367 = vector.shape_cast %slice3A_366 : vector<1x128x128xf32> to vector<128x128xf32>
    %slice3A_368 = vector.extract_strided_slice %add3A_112 {offsets = [14, 0, 0], sizes = [1, 128, 32], strides = [1, 1, 1]} : vector<32x128x32xf32> to vector<1x128x32xf32>
    %squeeze3A_369 = vector.shape_cast %slice3A_368 : vector<1x128x32xf32> to vector<128x32xf32>
    %dot_general3A_370 = arith.constant dense<0.000000e+00> : vector<128x32xf32>
    %dot_general3A_371 = tpu.matmul %squeeze3A_367, %squeeze3A_369, %dot_general3A_370 {dimension_numbers = #tpu.dot_dimension_numbers<[1], [0], [0], [1], [0, 0, 1, 1], [], []>, transpose_lhs_hint = false} : vector<128x128xf32>, vector<128x32xf32>, vector<128x32xf32> -> vector<128x32xf32>
    %broadcast_in_dim3A_372 = vector.shape_cast %get3A_159 : vector<32xf32> to vector<1x32xf32>
    %add3A_373 = vector.broadcast %broadcast_in_dim3A_372 : vector<1x32xf32> to vector<128x32xf32>
    %add3A_374 = arith.addf %dot_general3A_371, %add3A_373 : vector<128x32xf32>
    %max3A_375 = arith.constant 0.000000e+00 : f32
    %max3A_376 = vector.broadcast %max3A_375 : f32 to vector<128x32xf32>
    %max3A_377 = arith.maximumf %add3A_374, %max3A_376 : vector<128x32xf32>
    %swap3A_378 = arith.constant 1792 : index
    %swap3A_379 = arith.constant 0 : index
    %swap3A_380 = vector.load %arg7[%swap3A_378, %swap3A_379] : memref<4096x32xf32, #tpu.memory_space<vmem>>, vector<128x32xf32>
    tpu.vector_store %arg7[%swap3A_378, %swap3A_379], %max3A_377 {strides = array<i32>} : memref<4096x32xf32, #tpu.memory_space<vmem>>, vector<128x32xf32>,
    %slice3A_381 = vector.extract_strided_slice %div3A_155 {offsets = [15, 0, 0], sizes = [1, 128, 128], strides = [1, 1, 1]} : vector<32x128x128xf32> to vector<1x128x128xf32>
    %squeeze3A_382 = vector.shape_cast %slice3A_381 : vector<1x128x128xf32> to vector<128x128xf32>
    %slice3A_383 = vector.extract_strided_slice %add3A_112 {offsets = [15, 0, 0], sizes = [1, 128, 32], strides = [1, 1, 1]} : vector<32x128x32xf32> to vector<1x128x32xf32>
    %squeeze3A_384 = vector.shape_cast %slice3A_383 : vector<1x128x32xf32> to vector<128x32xf32>
    %dot_general3A_385 = arith.constant dense<0.000000e+00> : vector<128x32xf32>
    %dot_general3A_386 = tpu.matmul %squeeze3A_382, %squeeze3A_384, %dot_general3A_385 {dimension_numbers = #tpu.dot_dimension_numbers<[1], [0], [0], [1], [0, 0, 1, 1], [], []>, transpose_lhs_hint = false} : vector<128x128xf32>, vector<128x32xf32>, vector<128x32xf32> -> vector<128x32xf32>
    %broadcast_in_dim3A_387 = vector.shape_cast %get3A_159 : vector<32xf32> to vector<1x32xf32>
    %add3A_388 = vector.broadcast %broadcast_in_dim3A_387 : vector<1x32xf32> to vector<128x32xf32>
    %add3A_389 = arith.addf %dot_general3A_386, %add3A_388 : vector<128x32xf32>
    %max3A_390 = arith.constant 0.000000e+00 : f32
    %max3A_391 = vector.broadcast %max3A_390 : f32 to vector<128x32xf32>
    %max3A_392 = arith.maximumf %add3A_389, %max3A_391 : vector<128x32xf32>
    %swap3A_393 = arith.constant 1920 : index
    %swap3A_394 = arith.constant 0 : index
    %swap3A_395 = vector.load %arg7[%swap3A_393, %swap3A_394] : memref<4096x32xf32, #tpu.memory_space<vmem>>, vector<128x32xf32>
    tpu.vector_store %arg7[%swap3A_393, %swap3A_394], %max3A_392 {strides = array<i32>} : memref<4096x32xf32, #tpu.memory_space<vmem>>, vector<128x32xf32>,
    %slice3A_396 = vector.extract_strided_slice %div3A_155 {offsets = [16, 0, 0], sizes = [1, 128, 128], strides = [1, 1, 1]} : vector<32x128x128xf32> to vector<1x128x128xf32>
    %squeeze3A_397 = vector.shape_cast %slice3A_396 : vector<1x128x128xf32> to vector<128x128xf32>
    %slice3A_398 = vector.extract_strided_slice %add3A_112 {offsets = [16, 0, 0], sizes = [1, 128, 32], strides = [1, 1, 1]} : vector<32x128x32xf32> to vector<1x128x32xf32>
    %squeeze3A_399 = vector.shape_cast %slice3A_398 : vector<1x128x32xf32> to vector<128x32xf32>
    %dot_general3A_400 = arith.constant dense<0.000000e+00> : vector<128x32xf32>
    %dot_general3A_401 = tpu.matmul %squeeze3A_397, %squeeze3A_399, %dot_general3A_400 {dimension_numbers = #tpu.dot_dimension_numbers<[1], [0], [0], [1], [0, 0, 1, 1], [], []>, transpose_lhs_hint = false} : vector<128x128xf32>, vector<128x32xf32>, vector<128x32xf32> -> vector<128x32xf32>
    %broadcast_in_dim3A_402 = vector.shape_cast %get3A_159 : vector<32xf32> to vector<1x32xf32>
    %add3A_403 = vector.broadcast %broadcast_in_dim3A_402 : vector<1x32xf32> to vector<128x32xf32>
    %add3A_404 = arith.addf %dot_general3A_401, %add3A_403 : vector<128x32xf32>
    %max3A_405 = arith.constant 0.000000e+00 : f32
    %max3A_406 = vector.broadcast %max3A_405 : f32 to vector<128x32xf32>
    %max3A_407 = arith.maximumf %add3A_404, %max3A_406 : vector<128x32xf32>
    %swap3A_408 = arith.constant 2048 : index
    %swap3A_409 = arith.constant 0 : index
    %swap3A_410 = vector.load %arg7[%swap3A_408, %swap3A_409] : memref<4096x32xf32, #tpu.memory_space<vmem>>, vector<128x32xf32>
    tpu.vector_store %arg7[%swap3A_408, %swap3A_409], %max3A_407 {strides = array<i32>} : memref<4096x32xf32, #tpu.memory_space<vmem>>, vector<128x32xf32>,
    %slice3A_411 = vector.extract_strided_slice %div3A_155 {offsets = [17, 0, 0], sizes = [1, 128, 128], strides = [1, 1, 1]} : vector<32x128x128xf32> to vector<1x128x128xf32>
    %squeeze3A_412 = vector.shape_cast %slice3A_411 : vector<1x128x128xf32> to vector<128x128xf32>
    %slice3A_413 = vector.extract_strided_slice %add3A_112 {offsets = [17, 0, 0], sizes = [1, 128, 32], strides = [1, 1, 1]} : vector<32x128x32xf32> to vector<1x128x32xf32>
    %squeeze3A_414 = vector.shape_cast %slice3A_413 : vector<1x128x32xf32> to vector<128x32xf32>
    %dot_general3A_415 = arith.constant dense<0.000000e+00> : vector<128x32xf32>
    %dot_general3A_416 = tpu.matmul %squeeze3A_412, %squeeze3A_414, %dot_general3A_415 {dimension_numbers = #tpu.dot_dimension_numbers<[1], [0], [0], [1], [0, 0, 1, 1], [], []>, transpose_lhs_hint = false} : vector<128x128xf32>, vector<128x32xf32>, vector<128x32xf32> -> vector<128x32xf32>
    %broadcast_in_dim3A_417 = vector.shape_cast %get3A_159 : vector<32xf32> to vector<1x32xf32>
    %add3A_418 = vector.broadcast %broadcast_in_dim3A_417 : vector<1x32xf32> to vector<128x32xf32>
    %add3A_419 = arith.addf %dot_general3A_416, %add3A_418 : vector<128x32xf32>
    %max3A_420 = arith.constant 0.000000e+00 : f32
    %max3A_421 = vector.broadcast %max3A_420 : f32 to vector<128x32xf32>
    %max3A_422 = arith.maximumf %add3A_419, %max3A_421 : vector<128x32xf32>
    %swap3A_423 = arith.constant 2176 : index
    %swap3A_424 = arith.constant 0 : index
    %swap3A_425 = vector.load %arg7[%swap3A_423, %swap3A_424] : memref<4096x32xf32, #tpu.memory_space<vmem>>, vector<128x32xf32>
    tpu.vector_store %arg7[%swap3A_423, %swap3A_424], %max3A_422 {strides = array<i32>} : memref<4096x32xf32, #tpu.memory_space<vmem>>, vector<128x32xf32>,
    %slice3A_426 = vector.extract_strided_slice %div3A_155 {offsets = [18, 0, 0], sizes = [1, 128, 128], strides = [1, 1, 1]} : vector<32x128x128xf32> to vector<1x128x128xf32>
    %squeeze3A_427 = vector.shape_cast %slice3A_426 : vector<1x128x128xf32> to vector<128x128xf32>
    %slice3A_428 = vector.extract_strided_slice %add3A_112 {offsets = [18, 0, 0], sizes = [1, 128, 32], strides = [1, 1, 1]} : vector<32x128x32xf32> to vector<1x128x32xf32>
    %squeeze3A_429 = vector.shape_cast %slice3A_428 : vector<1x128x32xf32> to vector<128x32xf32>
    %dot_general3A_430 = arith.constant dense<0.000000e+00> : vector<128x32xf32>
    %dot_general3A_431 = tpu.matmul %squeeze3A_427, %squeeze3A_429, %dot_general3A_430 {dimension_numbers = #tpu.dot_dimension_numbers<[1], [0], [0], [1], [0, 0, 1, 1], [], []>, transpose_lhs_hint = false} : vector<128x128xf32>, vector<128x32xf32>, vector<128x32xf32> -> vector<128x32xf32>
    %broadcast_in_dim3A_432 = vector.shape_cast %get3A_159 : vector<32xf32> to vector<1x32xf32>
    %add3A_433 = vector.broadcast %broadcast_in_dim3A_432 : vector<1x32xf32> to vector<128x32xf32>
    %add3A_434 = arith.addf %dot_general3A_431, %add3A_433 : vector<128x32xf32>
    %max3A_435 = arith.constant 0.000000e+00 : f32
    %max3A_436 = vector.broadcast %max3A_435 : f32 to vector<128x32xf32>
    %max3A_437 = arith.maximumf %add3A_434, %max3A_436 : vector<128x32xf32>
    %swap3A_438 = arith.constant 2304 : index
    %swap3A_439 = arith.constant 0 : index
    %swap3A_440 = vector.load %arg7[%swap3A_438, %swap3A_439] : memref<4096x32xf32, #tpu.memory_space<vmem>>, vector<128x32xf32>
    tpu.vector_store %arg7[%swap3A_438, %swap3A_439], %max3A_437 {strides = array<i32>} : memref<4096x32xf32, #tpu.memory_space<vmem>>, vector<128x32xf32>,
    %slice3A_441 = vector.extract_strided_slice %div3A_155 {offsets = [19, 0, 0], sizes = [1, 128, 128], strides = [1, 1, 1]} : vector<32x128x128xf32> to vector<1x128x128xf32>
    %squeeze3A_442 = vector.shape_cast %slice3A_441 : vector<1x128x128xf32> to vector<128x128xf32>
    %slice3A_443 = vector.extract_strided_slice %add3A_112 {offsets = [19, 0, 0], sizes = [1, 128, 32], strides = [1, 1, 1]} : vector<32x128x32xf32> to vector<1x128x32xf32>
    %squeeze3A_444 = vector.shape_cast %slice3A_443 : vector<1x128x32xf32> to vector<128x32xf32>
    %dot_general3A_445 = arith.constant dense<0.000000e+00> : vector<128x32xf32>
    %dot_general3A_446 = tpu.matmul %squeeze3A_442, %squeeze3A_444, %dot_general3A_445 {dimension_numbers = #tpu.dot_dimension_numbers<[1], [0], [0], [1], [0, 0, 1, 1], [], []>, transpose_lhs_hint = false} : vector<128x128xf32>, vector<128x32xf32>, vector<128x32xf32> -> vector<128x32xf32>
    %broadcast_in_dim3A_447 = vector.shape_cast %get3A_159 : vector<32xf32> to vector<1x32xf32>
    %add3A_448 = vector.broadcast %broadcast_in_dim3A_447 : vector<1x32xf32> to vector<128x32xf32>
    %add3A_449 = arith.addf %dot_general3A_446, %add3A_448 : vector<128x32xf32>
    %max3A_450 = arith.constant 0.000000e+00 : f32
    %max3A_451 = vector.broadcast %max3A_450 : f32 to vector<128x32xf32>
    %max3A_452 = arith.maximumf %add3A_449, %max3A_451 : vector<128x32xf32>
    %swap3A_453 = arith.constant 2432 : index
    %swap3A_454 = arith.constant 0 : index
    %swap3A_455 = vector.load %arg7[%swap3A_453, %swap3A_454] : memref<4096x32xf32, #tpu.memory_space<vmem>>, vector<128x32xf32>
    tpu.vector_store %arg7[%swap3A_453, %swap3A_454], %max3A_452 {strides = array<i32>} : memref<4096x32xf32, #tpu.memory_space<vmem>>, vector<128x32xf32>,
    %slice3A_456 = vector.extract_strided_slice %div3A_155 {offsets = [20, 0, 0], sizes = [1, 128, 128], strides = [1, 1, 1]} : vector<32x128x128xf32> to vector<1x128x128xf32>
    %squeeze3A_457 = vector.shape_cast %slice3A_456 : vector<1x128x128xf32> to vector<128x128xf32>
    %slice3A_458 = vector.extract_strided_slice %add3A_112 {offsets = [20, 0, 0], sizes = [1, 128, 32], strides = [1, 1, 1]} : vector<32x128x32xf32> to vector<1x128x32xf32>
    %squeeze3A_459 = vector.shape_cast %slice3A_458 : vector<1x128x32xf32> to vector<128x32xf32>
    %dot_general3A_460 = arith.constant dense<0.000000e+00> : vector<128x32xf32>
    %dot_general3A_461 = tpu.matmul %squeeze3A_457, %squeeze3A_459, %dot_general3A_460 {dimension_numbers = #tpu.dot_dimension_numbers<[1], [0], [0], [1], [0, 0, 1, 1], [], []>, transpose_lhs_hint = false} : vector<128x128xf32>, vector<128x32xf32>, vector<128x32xf32> -> vector<128x32xf32>
    %broadcast_in_dim3A_462 = vector.shape_cast %get3A_159 : vector<32xf32> to vector<1x32xf32>
    %add3A_463 = vector.broadcast %broadcast_in_dim3A_462 : vector<1x32xf32> to vector<128x32xf32>
    %add3A_464 = arith.addf %dot_general3A_461, %add3A_463 : vector<128x32xf32>
    %max3A_465 = arith.constant 0.000000e+00 : f32
    %max3A_466 = vector.broadcast %max3A_465 : f32 to vector<128x32xf32>
    %max3A_467 = arith.maximumf %add3A_464, %max3A_466 : vector<128x32xf32>
    %swap3A_468 = arith.constant 2560 : index
    %swap3A_469 = arith.constant 0 : index
    %swap3A_470 = vector.load %arg7[%swap3A_468, %swap3A_469] : memref<4096x32xf32, #tpu.memory_space<vmem>>, vector<128x32xf32>
    tpu.vector_store %arg7[%swap3A_468, %swap3A_469], %max3A_467 {strides = array<i32>} : memref<4096x32xf32, #tpu.memory_space<vmem>>, vector<128x32xf32>,
    %slice3A_471 = vector.extract_strided_slice %div3A_155 {offsets = [21, 0, 0], sizes = [1, 128, 128], strides = [1, 1, 1]} : vector<32x128x128xf32> to vector<1x128x128xf32>
    %squeeze3A_472 = vector.shape_cast %slice3A_471 : vector<1x128x128xf32> to vector<128x128xf32>
    %slice3A_473 = vector.extract_strided_slice %add3A_112 {offsets = [21, 0, 0], sizes = [1, 128, 32], strides = [1, 1, 1]} : vector<32x128x32xf32> to vector<1x128x32xf32>
    %squeeze3A_474 = vector.shape_cast %slice3A_473 : vector<1x128x32xf32> to vector<128x32xf32>
    %dot_general3A_475 = arith.constant dense<0.000000e+00> : vector<128x32xf32>
    %dot_general3A_476 = tpu.matmul %squeeze3A_472, %squeeze3A_474, %dot_general3A_475 {dimension_numbers = #tpu.dot_dimension_numbers<[1], [0], [0], [1], [0, 0, 1, 1], [], []>, transpose_lhs_hint = false} : vector<128x128xf32>, vector<128x32xf32>, vector<128x32xf32> -> vector<128x32xf32>
    %broadcast_in_dim3A_477 = vector.shape_cast %get3A_159 : vector<32xf32> to vector<1x32xf32>
    %add3A_478 = vector.broadcast %broadcast_in_dim3A_477 : vector<1x32xf32> to vector<128x32xf32>
    %add3A_479 = arith.addf %dot_general3A_476, %add3A_478 : vector<128x32xf32>
    %max3A_480 = arith.constant 0.000000e+00 : f32
    %max3A_481 = vector.broadcast %max3A_480 : f32 to vector<128x32xf32>
    %max3A_482 = arith.maximumf %add3A_479, %max3A_481 : vector<128x32xf32>
    %swap3A_483 = arith.constant 2688 : index
    %swap3A_484 = arith.constant 0 : index
    %swap3A_485 = vector.load %arg7[%swap3A_483, %swap3A_484] : memref<4096x32xf32, #tpu.memory_space<vmem>>, vector<128x32xf32>
    tpu.vector_store %arg7[%swap3A_483, %swap3A_484], %max3A_482 {strides = array<i32>} : memref<4096x32xf32, #tpu.memory_space<vmem>>, vector<128x32xf32>,
    %slice3A_486 = vector.extract_strided_slice %div3A_155 {offsets = [22, 0, 0], sizes = [1, 128, 128], strides = [1, 1, 1]} : vector<32x128x128xf32> to vector<1x128x128xf32>
    %squeeze3A_487 = vector.shape_cast %slice3A_486 : vector<1x128x128xf32> to vector<128x128xf32>
    %slice3A_488 = vector.extract_strided_slice %add3A_112 {offsets = [22, 0, 0], sizes = [1, 128, 32], strides = [1, 1, 1]} : vector<32x128x32xf32> to vector<1x128x32xf32>
    %squeeze3A_489 = vector.shape_cast %slice3A_488 : vector<1x128x32xf32> to vector<128x32xf32>
    %dot_general3A_490 = arith.constant dense<0.000000e+00> : vector<128x32xf32>
    %dot_general3A_491 = tpu.matmul %squeeze3A_487, %squeeze3A_489, %dot_general3A_490 {dimension_numbers = #tpu.dot_dimension_numbers<[1], [0], [0], [1], [0, 0, 1, 1], [], []>, transpose_lhs_hint = false} : vector<128x128xf32>, vector<128x32xf32>, vector<128x32xf32> -> vector<128x32xf32>
    %broadcast_in_dim3A_492 = vector.shape_cast %get3A_159 : vector<32xf32> to vector<1x32xf32>
    %add3A_493 = vector.broadcast %broadcast_in_dim3A_492 : vector<1x32xf32> to vector<128x32xf32>
    %add3A_494 = arith.addf %dot_general3A_491, %add3A_493 : vector<128x32xf32>
    %max3A_495 = arith.constant 0.000000e+00 : f32
    %max3A_496 = vector.broadcast %max3A_495 : f32 to vector<128x32xf32>
    %max3A_497 = arith.maximumf %add3A_494, %max3A_496 : vector<128x32xf32>
    %swap3A_498 = arith.constant 2816 : index
    %swap3A_499 = arith.constant 0 : index
    %swap3A_500 = vector.load %arg7[%swap3A_498, %swap3A_499] : memref<4096x32xf32, #tpu.memory_space<vmem>>, vector<128x32xf32>
    tpu.vector_store %arg7[%swap3A_498, %swap3A_499], %max3A_497 {strides = array<i32>} : memref<4096x32xf32, #tpu.memory_space<vmem>>, vector<128x32xf32>,
    %slice3A_501 = vector.extract_strided_slice %div3A_155 {offsets = [23, 0, 0], sizes = [1, 128, 128], strides = [1, 1, 1]} : vector<32x128x128xf32> to vector<1x128x128xf32>
    %squeeze3A_502 = vector.shape_cast %slice3A_501 : vector<1x128x128xf32> to vector<128x128xf32>
    %slice3A_503 = vector.extract_strided_slice %add3A_112 {offsets = [23, 0, 0], sizes = [1, 128, 32], strides = [1, 1, 1]} : vector<32x128x32xf32> to vector<1x128x32xf32>
    %squeeze3A_504 = vector.shape_cast %slice3A_503 : vector<1x128x32xf32> to vector<128x32xf32>
    %dot_general3A_505 = arith.constant dense<0.000000e+00> : vector<128x32xf32>
    %dot_general3A_506 = tpu.matmul %squeeze3A_502, %squeeze3A_504, %dot_general3A_505 {dimension_numbers = #tpu.dot_dimension_numbers<[1], [0], [0], [1], [0, 0, 1, 1], [], []>, transpose_lhs_hint = false} : vector<128x128xf32>, vector<128x32xf32>, vector<128x32xf32> -> vector<128x32xf32>
    %broadcast_in_dim3A_507 = vector.shape_cast %get3A_159 : vector<32xf32> to vector<1x32xf32>
    %add3A_508 = vector.broadcast %broadcast_in_dim3A_507 : vector<1x32xf32> to vector<128x32xf32>
    %add3A_509 = arith.addf %dot_general3A_506, %add3A_508 : vector<128x32xf32>
    %max3A_510 = arith.constant 0.000000e+00 : f32
    %max3A_511 = vector.broadcast %max3A_510 : f32 to vector<128x32xf32>
    %max3A_512 = arith.maximumf %add3A_509, %max3A_511 : vector<128x32xf32>
    %swap3A_513 = arith.constant 2944 : index
    %swap3A_514 = arith.constant 0 : index
    %swap3A_515 = vector.load %arg7[%swap3A_513, %swap3A_514] : memref<4096x32xf32, #tpu.memory_space<vmem>>, vector<128x32xf32>
    tpu.vector_store %arg7[%swap3A_513, %swap3A_514], %max3A_512 {strides = array<i32>} : memref<4096x32xf32, #tpu.memory_space<vmem>>, vector<128x32xf32>,
    %slice3A_516 = vector.extract_strided_slice %div3A_155 {offsets = [24, 0, 0], sizes = [1, 128, 128], strides = [1, 1, 1]} : vector<32x128x128xf32> to vector<1x128x128xf32>
    %squeeze3A_517 = vector.shape_cast %slice3A_516 : vector<1x128x128xf32> to vector<128x128xf32>
    %slice3A_518 = vector.extract_strided_slice %add3A_112 {offsets = [24, 0, 0], sizes = [1, 128, 32], strides = [1, 1, 1]} : vector<32x128x32xf32> to vector<1x128x32xf32>
    %squeeze3A_519 = vector.shape_cast %slice3A_518 : vector<1x128x32xf32> to vector<128x32xf32>
    %dot_general3A_520 = arith.constant dense<0.000000e+00> : vector<128x32xf32>
    %dot_general3A_521 = tpu.matmul %squeeze3A_517, %squeeze3A_519, %dot_general3A_520 {dimension_numbers = #tpu.dot_dimension_numbers<[1], [0], [0], [1], [0, 0, 1, 1], [], []>, transpose_lhs_hint = false} : vector<128x128xf32>, vector<128x32xf32>, vector<128x32xf32> -> vector<128x32xf32>
    %broadcast_in_dim3A_522 = vector.shape_cast %get3A_159 : vector<32xf32> to vector<1x32xf32>
    %add3A_523 = vector.broadcast %broadcast_in_dim3A_522 : vector<1x32xf32> to vector<128x32xf32>
    %add3A_524 = arith.addf %dot_general3A_521, %add3A_523 : vector<128x32xf32>
    %max3A_525 = arith.constant 0.000000e+00 : f32
    %max3A_526 = vector.broadcast %max3A_525 : f32 to vector<128x32xf32>
    %max3A_527 = arith.maximumf %add3A_524, %max3A_526 : vector<128x32xf32>
    %swap3A_528 = arith.constant 3072 : index
    %swap3A_529 = arith.constant 0 : index
    %swap3A_530 = vector.load %arg7[%swap3A_528, %swap3A_529] : memref<4096x32xf32, #tpu.memory_space<vmem>>, vector<128x32xf32>
    tpu.vector_store %arg7[%swap3A_528, %swap3A_529], %max3A_527 {strides = array<i32>} : memref<4096x32xf32, #tpu.memory_space<vmem>>, vector<128x32xf32>,
    %slice3A_531 = vector.extract_strided_slice %div3A_155 {offsets = [25, 0, 0], sizes = [1, 128, 128], strides = [1, 1, 1]} : vector<32x128x128xf32> to vector<1x128x128xf32>
    %squeeze3A_532 = vector.shape_cast %slice3A_531 : vector<1x128x128xf32> to vector<128x128xf32>
    %slice3A_533 = vector.extract_strided_slice %add3A_112 {offsets = [25, 0, 0], sizes = [1, 128, 32], strides = [1, 1, 1]} : vector<32x128x32xf32> to vector<1x128x32xf32>
    %squeeze3A_534 = vector.shape_cast %slice3A_533 : vector<1x128x32xf32> to vector<128x32xf32>
    %dot_general3A_535 = arith.constant dense<0.000000e+00> : vector<128x32xf32>
    %dot_general3A_536 = tpu.matmul %squeeze3A_532, %squeeze3A_534, %dot_general3A_535 {dimension_numbers = #tpu.dot_dimension_numbers<[1], [0], [0], [1], [0, 0, 1, 1], [], []>, transpose_lhs_hint = false} : vector<128x128xf32>, vector<128x32xf32>, vector<128x32xf32> -> vector<128x32xf32>
    %broadcast_in_dim3A_537 = vector.shape_cast %get3A_159 : vector<32xf32> to vector<1x32xf32>
    %add3A_538 = vector.broadcast %broadcast_in_dim3A_537 : vector<1x32xf32> to vector<128x32xf32>
    %add3A_539 = arith.addf %dot_general3A_536, %add3A_538 : vector<128x32xf32>
    %max3A_540 = arith.constant 0.000000e+00 : f32
    %max3A_541 = vector.broadcast %max3A_540 : f32 to vector<128x32xf32>
    %max3A_542 = arith.maximumf %add3A_539, %max3A_541 : vector<128x32xf32>
    %swap3A_543 = arith.constant 3200 : index
    %swap3A_544 = arith.constant 0 : index
    %swap3A_545 = vector.load %arg7[%swap3A_543, %swap3A_544] : memref<4096x32xf32, #tpu.memory_space<vmem>>, vector<128x32xf32>
    tpu.vector_store %arg7[%swap3A_543, %swap3A_544], %max3A_542 {strides = array<i32>} : memref<4096x32xf32, #tpu.memory_space<vmem>>, vector<128x32xf32>,
    %slice3A_546 = vector.extract_strided_slice %div3A_155 {offsets = [26, 0, 0], sizes = [1, 128, 128], strides = [1, 1, 1]} : vector<32x128x128xf32> to vector<1x128x128xf32>
    %squeeze3A_547 = vector.shape_cast %slice3A_546 : vector<1x128x128xf32> to vector<128x128xf32>
    %slice3A_548 = vector.extract_strided_slice %add3A_112 {offsets = [26, 0, 0], sizes = [1, 128, 32], strides = [1, 1, 1]} : vector<32x128x32xf32> to vector<1x128x32xf32>
    %squeeze3A_549 = vector.shape_cast %slice3A_548 : vector<1x128x32xf32> to vector<128x32xf32>
    %dot_general3A_550 = arith.constant dense<0.000000e+00> : vector<128x32xf32>
    %dot_general3A_551 = tpu.matmul %squeeze3A_547, %squeeze3A_549, %dot_general3A_550 {dimension_numbers = #tpu.dot_dimension_numbers<[1], [0], [0], [1], [0, 0, 1, 1], [], []>, transpose_lhs_hint = false} : vector<128x128xf32>, vector<128x32xf32>, vector<128x32xf32> -> vector<128x32xf32>
    %broadcast_in_dim3A_552 = vector.shape_cast %get3A_159 : vector<32xf32> to vector<1x32xf32>
    %add3A_553 = vector.broadcast %broadcast_in_dim3A_552 : vector<1x32xf32> to vector<128x32xf32>
    %add3A_554 = arith.addf %dot_general3A_551, %add3A_553 : vector<128x32xf32>
    %max3A_555 = arith.constant 0.000000e+00 : f32
    %max3A_556 = vector.broadcast %max3A_555 : f32 to vector<128x32xf32>
    %max3A_557 = arith.maximumf %add3A_554, %max3A_556 : vector<128x32xf32>
    %swap3A_558 = arith.constant 3328 : index
    %swap3A_559 = arith.constant 0 : index
    %swap3A_560 = vector.load %arg7[%swap3A_558, %swap3A_559] : memref<4096x32xf32, #tpu.memory_space<vmem>>, vector<128x32xf32>
    tpu.vector_store %arg7[%swap3A_558, %swap3A_559], %max3A_557 {strides = array<i32>} : memref<4096x32xf32, #tpu.memory_space<vmem>>, vector<128x32xf32>,
    %slice3A_561 = vector.extract_strided_slice %div3A_155 {offsets = [27, 0, 0], sizes = [1, 128, 128], strides = [1, 1, 1]} : vector<32x128x128xf32> to vector<1x128x128xf32>
    %squeeze3A_562 = vector.shape_cast %slice3A_561 : vector<1x128x128xf32> to vector<128x128xf32>
    %slice3A_563 = vector.extract_strided_slice %add3A_112 {offsets = [27, 0, 0], sizes = [1, 128, 32], strides = [1, 1, 1]} : vector<32x128x32xf32> to vector<1x128x32xf32>
    %squeeze3A_564 = vector.shape_cast %slice3A_563 : vector<1x128x32xf32> to vector<128x32xf32>
    %dot_general3A_565 = arith.constant dense<0.000000e+00> : vector<128x32xf32>
    %dot_general3A_566 = tpu.matmul %squeeze3A_562, %squeeze3A_564, %dot_general3A_565 {dimension_numbers = #tpu.dot_dimension_numbers<[1], [0], [0], [1], [0, 0, 1, 1], [], []>, transpose_lhs_hint = false} : vector<128x128xf32>, vector<128x32xf32>, vector<128x32xf32> -> vector<128x32xf32>
    %broadcast_in_dim3A_567 = vector.shape_cast %get3A_159 : vector<32xf32> to vector<1x32xf32>
    %add3A_568 = vector.broadcast %broadcast_in_dim3A_567 : vector<1x32xf32> to vector<128x32xf32>
    %add3A_569 = arith.addf %dot_general3A_566, %add3A_568 : vector<128x32xf32>
    %max3A_570 = arith.constant 0.000000e+00 : f32
    %max3A_571 = vector.broadcast %max3A_570 : f32 to vector<128x32xf32>
    %max3A_572 = arith.maximumf %add3A_569, %max3A_571 : vector<128x32xf32>
    %swap3A_573 = arith.constant 3456 : index
    %swap3A_574 = arith.constant 0 : index
    %swap3A_575 = vector.load %arg7[%swap3A_573, %swap3A_574] : memref<4096x32xf32, #tpu.memory_space<vmem>>, vector<128x32xf32>
    tpu.vector_store %arg7[%swap3A_573, %swap3A_574], %max3A_572 {strides = array<i32>} : memref<4096x32xf32, #tpu.memory_space<vmem>>, vector<128x32xf32>,
    %slice3A_576 = vector.extract_strided_slice %div3A_155 {offsets = [28, 0, 0], sizes = [1, 128, 128], strides = [1, 1, 1]} : vector<32x128x128xf32> to vector<1x128x128xf32>
    %squeeze3A_577 = vector.shape_cast %slice3A_576 : vector<1x128x128xf32> to vector<128x128xf32>
    %slice3A_578 = vector.extract_strided_slice %add3A_112 {offsets = [28, 0, 0], sizes = [1, 128, 32], strides = [1, 1, 1]} : vector<32x128x32xf32> to vector<1x128x32xf32>
    %squeeze3A_579 = vector.shape_cast %slice3A_578 : vector<1x128x32xf32> to vector<128x32xf32>
    %dot_general3A_580 = arith.constant dense<0.000000e+00> : vector<128x32xf32>
    %dot_general3A_581 = tpu.matmul %squeeze3A_577, %squeeze3A_579, %dot_general3A_580 {dimension_numbers = #tpu.dot_dimension_numbers<[1], [0], [0], [1], [0, 0, 1, 1], [], []>, transpose_lhs_hint = false} : vector<128x128xf32>, vector<128x32xf32>, vector<128x32xf32> -> vector<128x32xf32>
    %broadcast_in_dim3A_582 = vector.shape_cast %get3A_159 : vector<32xf32> to vector<1x32xf32>
    %add3A_583 = vector.broadcast %broadcast_in_dim3A_582 : vector<1x32xf32> to vector<128x32xf32>
    %add3A_584 = arith.addf %dot_general3A_581, %add3A_583 : vector<128x32xf32>
    %max3A_585 = arith.constant 0.000000e+00 : f32
    %max3A_586 = vector.broadcast %max3A_585 : f32 to vector<128x32xf32>
    %max3A_587 = arith.maximumf %add3A_584, %max3A_586 : vector<128x32xf32>
    %swap3A_588 = arith.constant 3584 : index
    %swap3A_589 = arith.constant 0 : index
    %swap3A_590 = vector.load %arg7[%swap3A_588, %swap3A_589] : memref<4096x32xf32, #tpu.memory_space<vmem>>, vector<128x32xf32>
    tpu.vector_store %arg7[%swap3A_588, %swap3A_589], %max3A_587 {strides = array<i32>} : memref<4096x32xf32, #tpu.memory_space<vmem>>, vector<128x32xf32>,
    %slice3A_591 = vector.extract_strided_slice %div3A_155 {offsets = [29, 0, 0], sizes = [1, 128, 128], strides = [1, 1, 1]} : vector<32x128x128xf32> to vector<1x128x128xf32>
    %squeeze3A_592 = vector.shape_cast %slice3A_591 : vector<1x128x128xf32> to vector<128x128xf32>
    %slice3A_593 = vector.extract_strided_slice %add3A_112 {offsets = [29, 0, 0], sizes = [1, 128, 32], strides = [1, 1, 1]} : vector<32x128x32xf32> to vector<1x128x32xf32>
    %squeeze3A_594 = vector.shape_cast %slice3A_593 : vector<1x128x32xf32> to vector<128x32xf32>
    %dot_general3A_595 = arith.constant dense<0.000000e+00> : vector<128x32xf32>
    %dot_general3A_596 = tpu.matmul %squeeze3A_592, %squeeze3A_594, %dot_general3A_595 {dimension_numbers = #tpu.dot_dimension_numbers<[1], [0], [0], [1], [0, 0, 1, 1], [], []>, transpose_lhs_hint = false} : vector<128x128xf32>, vector<128x32xf32>, vector<128x32xf32> -> vector<128x32xf32>
    %broadcast_in_dim3A_597 = vector.shape_cast %get3A_159 : vector<32xf32> to vector<1x32xf32>
    %add3A_598 = vector.broadcast %broadcast_in_dim3A_597 : vector<1x32xf32> to vector<128x32xf32>
    %add3A_599 = arith.addf %dot_general3A_596, %add3A_598 : vector<128x32xf32>
    %max3A_600 = arith.constant 0.000000e+00 : f32
    %max3A_601 = vector.broadcast %max3A_600 : f32 to vector<128x32xf32>
    %max3A_602 = arith.maximumf %add3A_599, %max3A_601 : vector<128x32xf32>
    %swap3A_603 = arith.constant 3712 : index
    %swap3A_604 = arith.constant 0 : index
    %swap3A_605 = vector.load %arg7[%swap3A_603, %swap3A_604] : memref<4096x32xf32, #tpu.memory_space<vmem>>, vector<128x32xf32>
    tpu.vector_store %arg7[%swap3A_603, %swap3A_604], %max3A_602 {strides = array<i32>} : memref<4096x32xf32, #tpu.memory_space<vmem>>, vector<128x32xf32>,
    %slice3A_606 = vector.extract_strided_slice %div3A_155 {offsets = [30, 0, 0], sizes = [1, 128, 128], strides = [1, 1, 1]} : vector<32x128x128xf32> to vector<1x128x128xf32>
    %squeeze3A_607 = vector.shape_cast %slice3A_606 : vector<1x128x128xf32> to vector<128x128xf32>
    %slice3A_608 = vector.extract_strided_slice %add3A_112 {offsets = [30, 0, 0], sizes = [1, 128, 32], strides = [1, 1, 1]} : vector<32x128x32xf32> to vector<1x128x32xf32>
    %squeeze3A_609 = vector.shape_cast %slice3A_608 : vector<1x128x32xf32> to vector<128x32xf32>
    %dot_general3A_610 = arith.constant dense<0.000000e+00> : vector<128x32xf32>
    %dot_general3A_611 = tpu.matmul %squeeze3A_607, %squeeze3A_609, %dot_general3A_610 {dimension_numbers = #tpu.dot_dimension_numbers<[1], [0], [0], [1], [0, 0, 1, 1], [], []>, transpose_lhs_hint = false} : vector<128x128xf32>, vector<128x32xf32>, vector<128x32xf32> -> vector<128x32xf32>
    %broadcast_in_dim3A_612 = vector.shape_cast %get3A_159 : vector<32xf32> to vector<1x32xf32>
    %add3A_613 = vector.broadcast %broadcast_in_dim3A_612 : vector<1x32xf32> to vector<128x32xf32>
    %add3A_614 = arith.addf %dot_general3A_611, %add3A_613 : vector<128x32xf32>
    %max3A_615 = arith.constant 0.000000e+00 : f32
    %max3A_616 = vector.broadcast %max3A_615 : f32 to vector<128x32xf32>
    %max3A_617 = arith.maximumf %add3A_614, %max3A_616 : vector<128x32xf32>
    %swap3A_618 = arith.constant 3840 : index
    %swap3A_619 = arith.constant 0 : index
    %swap3A_620 = vector.load %arg7[%swap3A_618, %swap3A_619] : memref<4096x32xf32, #tpu.memory_space<vmem>>, vector<128x32xf32>
    tpu.vector_store %arg7[%swap3A_618, %swap3A_619], %max3A_617 {strides = array<i32>} : memref<4096x32xf32, #tpu.memory_space<vmem>>, vector<128x32xf32>,
    %slice3A_621 = vector.extract_strided_slice %div3A_155 {offsets = [31, 0, 0], sizes = [1, 128, 128], strides = [1, 1, 1]} : vector<32x128x128xf32> to vector<1x128x128xf32>
    %squeeze3A_622 = vector.shape_cast %slice3A_621 : vector<1x128x128xf32> to vector<128x128xf32>
    %slice3A_623 = vector.extract_strided_slice %add3A_112 {offsets = [31, 0, 0], sizes = [1, 128, 32], strides = [1, 1, 1]} : vector<32x128x32xf32> to vector<1x128x32xf32>
    %squeeze3A_624 = vector.shape_cast %slice3A_623 : vector<1x128x32xf32> to vector<128x32xf32>
    %dot_general3A_625 = arith.constant dense<0.000000e+00> : vector<128x32xf32>
    %dot_general3A_626 = tpu.matmul %squeeze3A_622, %squeeze3A_624, %dot_general3A_625 {dimension_numbers = #tpu.dot_dimension_numbers<[1], [0], [0], [1], [0, 0, 1, 1], [], []>, transpose_lhs_hint = false} : vector<128x128xf32>, vector<128x32xf32>, vector<128x32xf32> -> vector<128x32xf32>
    %broadcast_in_dim3A_627 = vector.shape_cast %get3A_159 : vector<32xf32> to vector<1x32xf32>
    %add3A_628 = vector.broadcast %broadcast_in_dim3A_627 : vector<1x32xf32> to vector<128x32xf32>
    %add3A_629 = arith.addf %dot_general3A_626, %add3A_628 : vector<128x32xf32>
    %max3A_630 = arith.constant 0.000000e+00 : f32
    %max3A_631 = vector.broadcast %max3A_630 : f32 to vector<128x32xf32>
    %max3A_632 = arith.maximumf %add3A_629, %max3A_631 : vector<128x32xf32>
    %swap3A_633 = arith.constant 3968 : index
    %swap3A_634 = arith.constant 0 : index
    %swap3A_635 = vector.load %arg7[%swap3A_633, %swap3A_634] : memref<4096x32xf32, #tpu.memory_space<vmem>>, vector<128x32xf32>
    tpu.vector_store %arg7[%swap3A_633, %swap3A_634], %max3A_632 {strides = array<i32>} : memref<4096x32xf32, #tpu.memory_space<vmem>>, vector<128x32xf32>,
    return
  }
}

module attributes {stable_mosaic.version = 14 : i64} {
  func.func @_gru_fc_kernel(%arg0: memref<32x4096xf32, #tpu.memory_space<vmem>>, %arg1: memref<768x4096xf32, #tpu.memory_space<hbm>>, %arg2: memref<768x256xf32, #tpu.memory_space<vmem>>, %arg3: memref<1x768xf32, #tpu.memory_space<vmem>>, %arg4: memref<1x768xf32, #tpu.memory_space<vmem>>, %arg5: memref<256x8128xf32, #tpu.memory_space<hbm>>, %arg6: memref<1x8128xf32, #tpu.memory_space<vmem>>, %arg7: memref<4x8128xf32, #tpu.memory_space<vmem>>, %arg8: memref<768x4096xf32, #tpu.memory_space<vmem>>, %arg9: memref<256x8128xf32, #tpu.memory_space<vmem>>, %arg10: memref<14x!tpu.dma_semaphore, #tpu.memory_space<semaphore_mem>>) attributes {dimension_semantics = [], scalar_prefetch = 0 : i64, scratch_operands = 3 : i64, tpu.core_type = #tpu.core_type<tc>} {
    %dma_start3A = arith.constant 0 : i32
    %dma_start3A_0 = tpu.memref_slice %arg10[%dma_start3A] : memref<14x!tpu.dma_semaphore, #tpu.memory_space<semaphore_mem>> -> memref<1x!tpu.dma_semaphore, #tpu.memory_space<semaphore_mem>>
    %dma_start3A_1 = tpu.memref_squeeze %dma_start3A_0 : memref<1x!tpu.dma_semaphore, #tpu.memory_space<semaphore_mem>> -> memref<!tpu.dma_semaphore, #tpu.memory_space<semaphore_mem>>
    %dma_start3A_2 = arith.constant 0 : i32
    %dma_start3A_3 = arith.constant 0 : i32
    %dma_start3A_4 = tpu.memref_slice %arg8[%dma_start3A_2, %dma_start3A_3] : memref<768x4096xf32, #tpu.memory_space<vmem>> -> memref<128x4096xf32, #tpu.memory_space<vmem>>
    %dma_start3A_5 = arith.constant 0 : i32
    %dma_start3A_6 = arith.constant 0 : i32
    %dma_start3A_7 = tpu.memref_slice %arg1[%dma_start3A_5, %dma_start3A_6] : memref<768x4096xf32, #tpu.memory_space<hbm>> -> memref<128x4096xf32, #tpu.memory_space<hbm>>
    tpu.enqueue_dma source(%dma_start3A_7 : memref<128x4096xf32, #tpu.memory_space<hbm>>) target(%dma_start3A_4 : memref<128x4096xf32, #tpu.memory_space<vmem>>) target_semaphore(%dma_start3A_1 : memref<!tpu.dma_semaphore, #tpu.memory_space<semaphore_mem>>)
    %dma_start3A_8 = arith.constant 1 : i32
    %dma_start3A_9 = tpu.memref_slice %arg10[%dma_start3A_8] : memref<14x!tpu.dma_semaphore, #tpu.memory_space<semaphore_mem>> -> memref<1x!tpu.dma_semaphore, #tpu.memory_space<semaphore_mem>>
    %dma_start3A_10 = tpu.memref_squeeze %dma_start3A_9 : memref<1x!tpu.dma_semaphore, #tpu.memory_space<semaphore_mem>> -> memref<!tpu.dma_semaphore, #tpu.memory_space<semaphore_mem>>
    %dma_start3A_11 = arith.constant 128 : i32
    %dma_start3A_12 = arith.constant 0 : i32
    %dma_start3A_13 = tpu.memref_slice %arg8[%dma_start3A_11, %dma_start3A_12] : memref<768x4096xf32, #tpu.memory_space<vmem>> -> memref<128x4096xf32, #tpu.memory_space<vmem>>
    %dma_start3A_14 = arith.constant 128 : i32
    %dma_start3A_15 = arith.constant 0 : i32
    %dma_start3A_16 = tpu.memref_slice %arg1[%dma_start3A_14, %dma_start3A_15] : memref<768x4096xf32, #tpu.memory_space<hbm>> -> memref<128x4096xf32, #tpu.memory_space<hbm>>
    tpu.enqueue_dma source(%dma_start3A_16 : memref<128x4096xf32, #tpu.memory_space<hbm>>) target(%dma_start3A_13 : memref<128x4096xf32, #tpu.memory_space<vmem>>) target_semaphore(%dma_start3A_10 : memref<!tpu.dma_semaphore, #tpu.memory_space<semaphore_mem>>)
    %dma_start3A_17 = arith.constant 2 : i32
    %dma_start3A_18 = tpu.memref_slice %arg10[%dma_start3A_17] : memref<14x!tpu.dma_semaphore, #tpu.memory_space<semaphore_mem>> -> memref<1x!tpu.dma_semaphore, #tpu.memory_space<semaphore_mem>>
    %dma_start3A_19 = tpu.memref_squeeze %dma_start3A_18 : memref<1x!tpu.dma_semaphore, #tpu.memory_space<semaphore_mem>> -> memref<!tpu.dma_semaphore, #tpu.memory_space<semaphore_mem>>
    %dma_start3A_20 = arith.constant 256 : i32
    %dma_start3A_21 = arith.constant 0 : i32
    %dma_start3A_22 = tpu.memref_slice %arg8[%dma_start3A_20, %dma_start3A_21] : memref<768x4096xf32, #tpu.memory_space<vmem>> -> memref<128x4096xf32, #tpu.memory_space<vmem>>
    %dma_start3A_23 = arith.constant 256 : i32
    %dma_start3A_24 = arith.constant 0 : i32
    %dma_start3A_25 = tpu.memref_slice %arg1[%dma_start3A_23, %dma_start3A_24] : memref<768x4096xf32, #tpu.memory_space<hbm>> -> memref<128x4096xf32, #tpu.memory_space<hbm>>
    tpu.enqueue_dma source(%dma_start3A_25 : memref<128x4096xf32, #tpu.memory_space<hbm>>) target(%dma_start3A_22 : memref<128x4096xf32, #tpu.memory_space<vmem>>) target_semaphore(%dma_start3A_19 : memref<!tpu.dma_semaphore, #tpu.memory_space<semaphore_mem>>)
    %dma_start3A_26 = arith.constant 3 : i32
    %dma_start3A_27 = tpu.memref_slice %arg10[%dma_start3A_26] : memref<14x!tpu.dma_semaphore, #tpu.memory_space<semaphore_mem>> -> memref<1x!tpu.dma_semaphore, #tpu.memory_space<semaphore_mem>>
    %dma_start3A_28 = tpu.memref_squeeze %dma_start3A_27 : memref<1x!tpu.dma_semaphore, #tpu.memory_space<semaphore_mem>> -> memref<!tpu.dma_semaphore, #tpu.memory_space<semaphore_mem>>
    %dma_start3A_29 = arith.constant 384 : i32
    %dma_start3A_30 = arith.constant 0 : i32
    %dma_start3A_31 = tpu.memref_slice %arg8[%dma_start3A_29, %dma_start3A_30] : memref<768x4096xf32, #tpu.memory_space<vmem>> -> memref<128x4096xf32, #tpu.memory_space<vmem>>
    %dma_start3A_32 = arith.constant 384 : i32
    %dma_start3A_33 = arith.constant 0 : i32
    %dma_start3A_34 = tpu.memref_slice %arg1[%dma_start3A_32, %dma_start3A_33] : memref<768x4096xf32, #tpu.memory_space<hbm>> -> memref<128x4096xf32, #tpu.memory_space<hbm>>
    tpu.enqueue_dma source(%dma_start3A_34 : memref<128x4096xf32, #tpu.memory_space<hbm>>) target(%dma_start3A_31 : memref<128x4096xf32, #tpu.memory_space<vmem>>) target_semaphore(%dma_start3A_28 : memref<!tpu.dma_semaphore, #tpu.memory_space<semaphore_mem>>)
    %dma_start3A_35 = arith.constant 4 : i32
    %dma_start3A_36 = tpu.memref_slice %arg10[%dma_start3A_35] : memref<14x!tpu.dma_semaphore, #tpu.memory_space<semaphore_mem>> -> memref<1x!tpu.dma_semaphore, #tpu.memory_space<semaphore_mem>>
    %dma_start3A_37 = tpu.memref_squeeze %dma_start3A_36 : memref<1x!tpu.dma_semaphore, #tpu.memory_space<semaphore_mem>> -> memref<!tpu.dma_semaphore, #tpu.memory_space<semaphore_mem>>
    %dma_start3A_38 = arith.constant 512 : i32
    %dma_start3A_39 = arith.constant 0 : i32
    %dma_start3A_40 = tpu.memref_slice %arg8[%dma_start3A_38, %dma_start3A_39] : memref<768x4096xf32, #tpu.memory_space<vmem>> -> memref<128x4096xf32, #tpu.memory_space<vmem>>
    %dma_start3A_41 = arith.constant 512 : i32
    %dma_start3A_42 = arith.constant 0 : i32
    %dma_start3A_43 = tpu.memref_slice %arg1[%dma_start3A_41, %dma_start3A_42] : memref<768x4096xf32, #tpu.memory_space<hbm>> -> memref<128x4096xf32, #tpu.memory_space<hbm>>
    tpu.enqueue_dma source(%dma_start3A_43 : memref<128x4096xf32, #tpu.memory_space<hbm>>) target(%dma_start3A_40 : memref<128x4096xf32, #tpu.memory_space<vmem>>) target_semaphore(%dma_start3A_37 : memref<!tpu.dma_semaphore, #tpu.memory_space<semaphore_mem>>)
    %dma_start3A_44 = arith.constant 5 : i32
    %dma_start3A_45 = tpu.memref_slice %arg10[%dma_start3A_44] : memref<14x!tpu.dma_semaphore, #tpu.memory_space<semaphore_mem>> -> memref<1x!tpu.dma_semaphore, #tpu.memory_space<semaphore_mem>>
    %dma_start3A_46 = tpu.memref_squeeze %dma_start3A_45 : memref<1x!tpu.dma_semaphore, #tpu.memory_space<semaphore_mem>> -> memref<!tpu.dma_semaphore, #tpu.memory_space<semaphore_mem>>
    %dma_start3A_47 = arith.constant 640 : i32
    %dma_start3A_48 = arith.constant 0 : i32
    %dma_start3A_49 = tpu.memref_slice %arg8[%dma_start3A_47, %dma_start3A_48] : memref<768x4096xf32, #tpu.memory_space<vmem>> -> memref<128x4096xf32, #tpu.memory_space<vmem>>
    %dma_start3A_50 = arith.constant 640 : i32
    %dma_start3A_51 = arith.constant 0 : i32
    %dma_start3A_52 = tpu.memref_slice %arg1[%dma_start3A_50, %dma_start3A_51] : memref<768x4096xf32, #tpu.memory_space<hbm>> -> memref<128x4096xf32, #tpu.memory_space<hbm>>
    tpu.enqueue_dma source(%dma_start3A_52 : memref<128x4096xf32, #tpu.memory_space<hbm>>) target(%dma_start3A_49 : memref<128x4096xf32, #tpu.memory_space<vmem>>) target_semaphore(%dma_start3A_46 : memref<!tpu.dma_semaphore, #tpu.memory_space<semaphore_mem>>)
    %dma_start3A_53 = arith.constant 6 : i32
    %dma_start3A_54 = tpu.memref_slice %arg10[%dma_start3A_53] : memref<14x!tpu.dma_semaphore, #tpu.memory_space<semaphore_mem>> -> memref<1x!tpu.dma_semaphore, #tpu.memory_space<semaphore_mem>>
    %dma_start3A_55 = tpu.memref_squeeze %dma_start3A_54 : memref<1x!tpu.dma_semaphore, #tpu.memory_space<semaphore_mem>> -> memref<!tpu.dma_semaphore, #tpu.memory_space<semaphore_mem>>
    %dma_start3A_56 = arith.constant 0 : i32
    %dma_start3A_57 = arith.constant 0 : i32
    %dma_start3A_58 = tpu.memref_slice %arg9[%dma_start3A_56, %dma_start3A_57] : memref<256x8128xf32, #tpu.memory_space<vmem>> -> memref<256x1024xf32, #tpu.memory_space<vmem>>
    %dma_start3A_59 = arith.constant 0 : i32
    %dma_start3A_60 = arith.constant 0 : i32
    %dma_start3A_61 = tpu.memref_slice %arg5[%dma_start3A_59, %dma_start3A_60] : memref<256x8128xf32, #tpu.memory_space<hbm>> -> memref<256x1024xf32, #tpu.memory_space<hbm>>
    tpu.enqueue_dma source(%dma_start3A_61 : memref<256x1024xf32, #tpu.memory_space<hbm>>) target(%dma_start3A_58 : memref<256x1024xf32, #tpu.memory_space<vmem>>) target_semaphore(%dma_start3A_55 : memref<!tpu.dma_semaphore, #tpu.memory_space<semaphore_mem>>)
    %dma_start3A_62 = arith.constant 7 : i32
    %dma_start3A_63 = tpu.memref_slice %arg10[%dma_start3A_62] : memref<14x!tpu.dma_semaphore, #tpu.memory_space<semaphore_mem>> -> memref<1x!tpu.dma_semaphore, #tpu.memory_space<semaphore_mem>>
    %dma_start3A_64 = tpu.memref_squeeze %dma_start3A_63 : memref<1x!tpu.dma_semaphore, #tpu.memory_space<semaphore_mem>> -> memref<!tpu.dma_semaphore, #tpu.memory_space<semaphore_mem>>
    %dma_start3A_65 = arith.constant 0 : i32
    %dma_start3A_66 = arith.constant 1024 : i32
    %dma_start3A_67 = tpu.memref_slice %arg9[%dma_start3A_65, %dma_start3A_66] : memref<256x8128xf32, #tpu.memory_space<vmem>> -> memref<256x1024xf32, #tpu.memory_space<vmem>>
    %dma_start3A_68 = arith.constant 0 : i32
    %dma_start3A_69 = arith.constant 1024 : i32
    %dma_start3A_70 = tpu.memref_slice %arg5[%dma_start3A_68, %dma_start3A_69] : memref<256x8128xf32, #tpu.memory_space<hbm>> -> memref<256x1024xf32, #tpu.memory_space<hbm>>
    tpu.enqueue_dma source(%dma_start3A_70 : memref<256x1024xf32, #tpu.memory_space<hbm>>) target(%dma_start3A_67 : memref<256x1024xf32, #tpu.memory_space<vmem>>) target_semaphore(%dma_start3A_64 : memref<!tpu.dma_semaphore, #tpu.memory_space<semaphore_mem>>)
    %dma_start3A_71 = arith.constant 8 : i32
    %dma_start3A_72 = tpu.memref_slice %arg10[%dma_start3A_71] : memref<14x!tpu.dma_semaphore, #tpu.memory_space<semaphore_mem>> -> memref<1x!tpu.dma_semaphore, #tpu.memory_space<semaphore_mem>>
    %dma_start3A_73 = tpu.memref_squeeze %dma_start3A_72 : memref<1x!tpu.dma_semaphore, #tpu.memory_space<semaphore_mem>> -> memref<!tpu.dma_semaphore, #tpu.memory_space<semaphore_mem>>
    %dma_start3A_74 = arith.constant 0 : i32
    %dma_start3A_75 = arith.constant 2048 : i32
    %dma_start3A_76 = tpu.memref_slice %arg9[%dma_start3A_74, %dma_start3A_75] : memref<256x8128xf32, #tpu.memory_space<vmem>> -> memref<256x1024xf32, #tpu.memory_space<vmem>>
    %dma_start3A_77 = arith.constant 0 : i32
    %dma_start3A_78 = arith.constant 2048 : i32
    %dma_start3A_79 = tpu.memref_slice %arg5[%dma_start3A_77, %dma_start3A_78] : memref<256x8128xf32, #tpu.memory_space<hbm>> -> memref<256x1024xf32, #tpu.memory_space<hbm>>
    tpu.enqueue_dma source(%dma_start3A_79 : memref<256x1024xf32, #tpu.memory_space<hbm>>) target(%dma_start3A_76 : memref<256x1024xf32, #tpu.memory_space<vmem>>) target_semaphore(%dma_start3A_73 : memref<!tpu.dma_semaphore, #tpu.memory_space<semaphore_mem>>)
    %dma_start3A_80 = arith.constant 9 : i32
    %dma_start3A_81 = tpu.memref_slice %arg10[%dma_start3A_80] : memref<14x!tpu.dma_semaphore, #tpu.memory_space<semaphore_mem>> -> memref<1x!tpu.dma_semaphore, #tpu.memory_space<semaphore_mem>>
    %dma_start3A_82 = tpu.memref_squeeze %dma_start3A_81 : memref<1x!tpu.dma_semaphore, #tpu.memory_space<semaphore_mem>> -> memref<!tpu.dma_semaphore, #tpu.memory_space<semaphore_mem>>
    %dma_start3A_83 = arith.constant 0 : i32
    %dma_start3A_84 = arith.constant 3072 : i32
    %dma_start3A_85 = tpu.memref_slice %arg9[%dma_start3A_83, %dma_start3A_84] : memref<256x8128xf32, #tpu.memory_space<vmem>> -> memref<256x1024xf32, #tpu.memory_space<vmem>>
    %dma_start3A_86 = arith.constant 0 : i32
    %dma_start3A_87 = arith.constant 3072 : i32
    %dma_start3A_88 = tpu.memref_slice %arg5[%dma_start3A_86, %dma_start3A_87] : memref<256x8128xf32, #tpu.memory_space<hbm>> -> memref<256x1024xf32, #tpu.memory_space<hbm>>
    tpu.enqueue_dma source(%dma_start3A_88 : memref<256x1024xf32, #tpu.memory_space<hbm>>) target(%dma_start3A_85 : memref<256x1024xf32, #tpu.memory_space<vmem>>) target_semaphore(%dma_start3A_82 : memref<!tpu.dma_semaphore, #tpu.memory_space<semaphore_mem>>)
    %dma_start3A_89 = arith.constant 10 : i32
    %dma_start3A_90 = tpu.memref_slice %arg10[%dma_start3A_89] : memref<14x!tpu.dma_semaphore, #tpu.memory_space<semaphore_mem>> -> memref<1x!tpu.dma_semaphore, #tpu.memory_space<semaphore_mem>>
    %dma_start3A_91 = tpu.memref_squeeze %dma_start3A_90 : memref<1x!tpu.dma_semaphore, #tpu.memory_space<semaphore_mem>> -> memref<!tpu.dma_semaphore, #tpu.memory_space<semaphore_mem>>
    %dma_start3A_92 = arith.constant 0 : i32
    %dma_start3A_93 = arith.constant 4096 : i32
    %dma_start3A_94 = tpu.memref_slice %arg9[%dma_start3A_92, %dma_start3A_93] : memref<256x8128xf32, #tpu.memory_space<vmem>> -> memref<256x1024xf32, #tpu.memory_space<vmem>>
    %dma_start3A_95 = arith.constant 0 : i32
    %dma_start3A_96 = arith.constant 4096 : i32
    %dma_start3A_97 = tpu.memref_slice %arg5[%dma_start3A_95, %dma_start3A_96] : memref<256x8128xf32, #tpu.memory_space<hbm>> -> memref<256x1024xf32, #tpu.memory_space<hbm>>
    tpu.enqueue_dma source(%dma_start3A_97 : memref<256x1024xf32, #tpu.memory_space<hbm>>) target(%dma_start3A_94 : memref<256x1024xf32, #tpu.memory_space<vmem>>) target_semaphore(%dma_start3A_91 : memref<!tpu.dma_semaphore, #tpu.memory_space<semaphore_mem>>)
    %dma_start3A_98 = arith.constant 11 : i32
    %dma_start3A_99 = tpu.memref_slice %arg10[%dma_start3A_98] : memref<14x!tpu.dma_semaphore, #tpu.memory_space<semaphore_mem>> -> memref<1x!tpu.dma_semaphore, #tpu.memory_space<semaphore_mem>>
    %dma_start3A_100 = tpu.memref_squeeze %dma_start3A_99 : memref<1x!tpu.dma_semaphore, #tpu.memory_space<semaphore_mem>> -> memref<!tpu.dma_semaphore, #tpu.memory_space<semaphore_mem>>
    %dma_start3A_101 = arith.constant 0 : i32
    %dma_start3A_102 = arith.constant 5120 : i32
    %dma_start3A_103 = tpu.memref_slice %arg9[%dma_start3A_101, %dma_start3A_102] : memref<256x8128xf32, #tpu.memory_space<vmem>> -> memref<256x1024xf32, #tpu.memory_space<vmem>>
    %dma_start3A_104 = arith.constant 0 : i32
    %dma_start3A_105 = arith.constant 5120 : i32
    %dma_start3A_106 = tpu.memref_slice %arg5[%dma_start3A_104, %dma_start3A_105] : memref<256x8128xf32, #tpu.memory_space<hbm>> -> memref<256x1024xf32, #tpu.memory_space<hbm>>
    tpu.enqueue_dma source(%dma_start3A_106 : memref<256x1024xf32, #tpu.memory_space<hbm>>) target(%dma_start3A_103 : memref<256x1024xf32, #tpu.memory_space<vmem>>) target_semaphore(%dma_start3A_100 : memref<!tpu.dma_semaphore, #tpu.memory_space<semaphore_mem>>)
    %dma_start3A_107 = arith.constant 12 : i32
    %dma_start3A_108 = tpu.memref_slice %arg10[%dma_start3A_107] : memref<14x!tpu.dma_semaphore, #tpu.memory_space<semaphore_mem>> -> memref<1x!tpu.dma_semaphore, #tpu.memory_space<semaphore_mem>>
    %dma_start3A_109 = tpu.memref_squeeze %dma_start3A_108 : memref<1x!tpu.dma_semaphore, #tpu.memory_space<semaphore_mem>> -> memref<!tpu.dma_semaphore, #tpu.memory_space<semaphore_mem>>
    %dma_start3A_110 = arith.constant 0 : i32
    %dma_start3A_111 = arith.constant 6144 : i32
    %dma_start3A_112 = tpu.memref_slice %arg9[%dma_start3A_110, %dma_start3A_111] : memref<256x8128xf32, #tpu.memory_space<vmem>> -> memref<256x1024xf32, #tpu.memory_space<vmem>>
    %dma_start3A_113 = arith.constant 0 : i32
    %dma_start3A_114 = arith.constant 6144 : i32
    %dma_start3A_115 = tpu.memref_slice %arg5[%dma_start3A_113, %dma_start3A_114] : memref<256x8128xf32, #tpu.memory_space<hbm>> -> memref<256x1024xf32, #tpu.memory_space<hbm>>
    tpu.enqueue_dma source(%dma_start3A_115 : memref<256x1024xf32, #tpu.memory_space<hbm>>) target(%dma_start3A_112 : memref<256x1024xf32, #tpu.memory_space<vmem>>) target_semaphore(%dma_start3A_109 : memref<!tpu.dma_semaphore, #tpu.memory_space<semaphore_mem>>)
    %dma_start3A_116 = arith.constant 13 : i32
    %dma_start3A_117 = tpu.memref_slice %arg10[%dma_start3A_116] : memref<14x!tpu.dma_semaphore, #tpu.memory_space<semaphore_mem>> -> memref<1x!tpu.dma_semaphore, #tpu.memory_space<semaphore_mem>>
    %dma_start3A_118 = tpu.memref_squeeze %dma_start3A_117 : memref<1x!tpu.dma_semaphore, #tpu.memory_space<semaphore_mem>> -> memref<!tpu.dma_semaphore, #tpu.memory_space<semaphore_mem>>
    %dma_start3A_119 = arith.constant 0 : i32
    %dma_start3A_120 = arith.constant 7168 : i32
    %dma_start3A_121 = tpu.memref_slice %arg9[%dma_start3A_119, %dma_start3A_120] : memref<256x8128xf32, #tpu.memory_space<vmem>> -> memref<256x960xf32, #tpu.memory_space<vmem>>
    %dma_start3A_122 = arith.constant 0 : i32
    %dma_start3A_123 = arith.constant 7168 : i32
    %dma_start3A_124 = tpu.memref_slice %arg5[%dma_start3A_122, %dma_start3A_123] : memref<256x8128xf32, #tpu.memory_space<hbm>> -> memref<256x960xf32, #tpu.memory_space<hbm>>
    tpu.enqueue_dma source(%dma_start3A_124 : memref<256x960xf32, #tpu.memory_space<hbm>>) target(%dma_start3A_121 : memref<256x960xf32, #tpu.memory_space<vmem>>) target_semaphore(%dma_start3A_118 : memref<!tpu.dma_semaphore, #tpu.memory_space<semaphore_mem>>)
    %dma_wait3A = arith.constant 0 : i32
    %dma_wait3A_125 = tpu.memref_slice %arg10[%dma_wait3A] : memref<14x!tpu.dma_semaphore, #tpu.memory_space<semaphore_mem>> -> memref<1x!tpu.dma_semaphore, #tpu.memory_space<semaphore_mem>>
    %dma_wait3A_126 = tpu.memref_squeeze %dma_wait3A_125 : memref<1x!tpu.dma_semaphore, #tpu.memory_space<semaphore_mem>> -> memref<!tpu.dma_semaphore, #tpu.memory_space<semaphore_mem>>
    %dma_wait3A_127 = arith.constant 0 : i32
    %dma_wait3A_128 = arith.constant 0 : i32
    %dma_wait3A_129 = tpu.memref_slice %arg8[%dma_wait3A_127, %dma_wait3A_128] : memref<768x4096xf32, #tpu.memory_space<vmem>> -> memref<128x4096xf32, #tpu.memory_space<vmem>>
    %dma_wait3A_130 = arith.constant 0 : i32
    %dma_wait3A_131 = arith.constant 0 : i32
    %dma_wait3A_132 = tpu.memref_slice %arg1[%dma_wait3A_130, %dma_wait3A_131] : memref<768x4096xf32, #tpu.memory_space<hbm>> -> memref<128x4096xf32, #tpu.memory_space<hbm>>
    tpu.wait_dma2 semaphore(%dma_wait3A_126 : memref<!tpu.dma_semaphore, #tpu.memory_space<semaphore_mem>>) src(%dma_wait3A_132 : memref<128x4096xf32, #tpu.memory_space<hbm>>) dst(%dma_wait3A_129 : memref<128x4096xf32, #tpu.memory_space<vmem>>)
    %get3A = arith.constant 0 : index
    %get3A_133 = arith.constant 0 : index
    %get3A_134 = vector.load %arg0[%get3A, %get3A_133] : memref<32x4096xf32, #tpu.memory_space<vmem>>, vector<32x4096xf32>
    %get3A_135 = arith.constant 0 : index
    %get3A_136 = arith.constant 0 : index
    %get3A_137 = vector.load %arg8[%get3A_135, %get3A_136] : memref<768x4096xf32, #tpu.memory_space<vmem>>, vector<128x4096xf32>
    %dot_general3A = arith.constant dense<0.000000e+00> : vector<32x128xf32>
    %dot_general3A_138 = tpu.matmul %get3A_134, %get3A_137, %dot_general3A {dimension_numbers = #tpu.dot_dimension_numbers<[1], [1], [0], [0], [0, 0, 1, 0], [], []>, transpose_lhs_hint = false} : vector<32x4096xf32>, vector<128x4096xf32>, vector<32x128xf32> -> vector<32x128xf32>
    %dma_wait3A_139 = arith.constant 1 : i32
    %dma_wait3A_140 = tpu.memref_slice %arg10[%dma_wait3A_139] : memref<14x!tpu.dma_semaphore, #tpu.memory_space<semaphore_mem>> -> memref<1x!tpu.dma_semaphore, #tpu.memory_space<semaphore_mem>>
    %dma_wait3A_141 = tpu.memref_squeeze %dma_wait3A_140 : memref<1x!tpu.dma_semaphore, #tpu.memory_space<semaphore_mem>> -> memref<!tpu.dma_semaphore, #tpu.memory_space<semaphore_mem>>
    %dma_wait3A_142 = arith.constant 128 : i32
    %dma_wait3A_143 = arith.constant 0 : i32
    %dma_wait3A_144 = tpu.memref_slice %arg8[%dma_wait3A_142, %dma_wait3A_143] : memref<768x4096xf32, #tpu.memory_space<vmem>> -> memref<128x4096xf32, #tpu.memory_space<vmem>>
    %dma_wait3A_145 = arith.constant 128 : i32
    %dma_wait3A_146 = arith.constant 0 : i32
    %dma_wait3A_147 = tpu.memref_slice %arg1[%dma_wait3A_145, %dma_wait3A_146] : memref<768x4096xf32, #tpu.memory_space<hbm>> -> memref<128x4096xf32, #tpu.memory_space<hbm>>
    tpu.wait_dma2 semaphore(%dma_wait3A_141 : memref<!tpu.dma_semaphore, #tpu.memory_space<semaphore_mem>>) src(%dma_wait3A_147 : memref<128x4096xf32, #tpu.memory_space<hbm>>) dst(%dma_wait3A_144 : memref<128x4096xf32, #tpu.memory_space<vmem>>)
    %get3A_148 = arith.constant 0 : index
    %get3A_149 = arith.constant 0 : index
    %get3A_150 = vector.load %arg0[%get3A_148, %get3A_149] : memref<32x4096xf32, #tpu.memory_space<vmem>>, vector<32x4096xf32>
    %get3A_151 = arith.constant 128 : index
    %get3A_152 = arith.constant 0 : index
    %get3A_153 = vector.load %arg8[%get3A_151, %get3A_152] : memref<768x4096xf32, #tpu.memory_space<vmem>>, vector<128x4096xf32>
    %dot_general3A_154 = arith.constant dense<0.000000e+00> : vector<32x128xf32>
    %dot_general3A_155 = tpu.matmul %get3A_150, %get3A_153, %dot_general3A_154 {dimension_numbers = #tpu.dot_dimension_numbers<[1], [1], [0], [0], [0, 0, 1, 0], [], []>, transpose_lhs_hint = false} : vector<32x4096xf32>, vector<128x4096xf32>, vector<32x128xf32> -> vector<32x128xf32>
    %dma_wait3A_156 = arith.constant 2 : i32
    %dma_wait3A_157 = tpu.memref_slice %arg10[%dma_wait3A_156] : memref<14x!tpu.dma_semaphore, #tpu.memory_space<semaphore_mem>> -> memref<1x!tpu.dma_semaphore, #tpu.memory_space<semaphore_mem>>
    %dma_wait3A_158 = tpu.memref_squeeze %dma_wait3A_157 : memref<1x!tpu.dma_semaphore, #tpu.memory_space<semaphore_mem>> -> memref<!tpu.dma_semaphore, #tpu.memory_space<semaphore_mem>>
    %dma_wait3A_159 = arith.constant 256 : i32
    %dma_wait3A_160 = arith.constant 0 : i32
    %dma_wait3A_161 = tpu.memref_slice %arg8[%dma_wait3A_159, %dma_wait3A_160] : memref<768x4096xf32, #tpu.memory_space<vmem>> -> memref<128x4096xf32, #tpu.memory_space<vmem>>
    %dma_wait3A_162 = arith.constant 256 : i32
    %dma_wait3A_163 = arith.constant 0 : i32
    %dma_wait3A_164 = tpu.memref_slice %arg1[%dma_wait3A_162, %dma_wait3A_163] : memref<768x4096xf32, #tpu.memory_space<hbm>> -> memref<128x4096xf32, #tpu.memory_space<hbm>>
    tpu.wait_dma2 semaphore(%dma_wait3A_158 : memref<!tpu.dma_semaphore, #tpu.memory_space<semaphore_mem>>) src(%dma_wait3A_164 : memref<128x4096xf32, #tpu.memory_space<hbm>>) dst(%dma_wait3A_161 : memref<128x4096xf32, #tpu.memory_space<vmem>>)
    %get3A_165 = arith.constant 0 : index
    %get3A_166 = arith.constant 0 : index
    %get3A_167 = vector.load %arg0[%get3A_165, %get3A_166] : memref<32x4096xf32, #tpu.memory_space<vmem>>, vector<32x4096xf32>
    %get3A_168 = arith.constant 256 : index
    %get3A_169 = arith.constant 0 : index
    %get3A_170 = vector.load %arg8[%get3A_168, %get3A_169] : memref<768x4096xf32, #tpu.memory_space<vmem>>, vector<128x4096xf32>
    %dot_general3A_171 = arith.constant dense<0.000000e+00> : vector<32x128xf32>
    %dot_general3A_172 = tpu.matmul %get3A_167, %get3A_170, %dot_general3A_171 {dimension_numbers = #tpu.dot_dimension_numbers<[1], [1], [0], [0], [0, 0, 1, 0], [], []>, transpose_lhs_hint = false} : vector<32x4096xf32>, vector<128x4096xf32>, vector<32x128xf32> -> vector<32x128xf32>
    %dma_wait3A_173 = arith.constant 3 : i32
    %dma_wait3A_174 = tpu.memref_slice %arg10[%dma_wait3A_173] : memref<14x!tpu.dma_semaphore, #tpu.memory_space<semaphore_mem>> -> memref<1x!tpu.dma_semaphore, #tpu.memory_space<semaphore_mem>>
    %dma_wait3A_175 = tpu.memref_squeeze %dma_wait3A_174 : memref<1x!tpu.dma_semaphore, #tpu.memory_space<semaphore_mem>> -> memref<!tpu.dma_semaphore, #tpu.memory_space<semaphore_mem>>
    %dma_wait3A_176 = arith.constant 384 : i32
    %dma_wait3A_177 = arith.constant 0 : i32
    %dma_wait3A_178 = tpu.memref_slice %arg8[%dma_wait3A_176, %dma_wait3A_177] : memref<768x4096xf32, #tpu.memory_space<vmem>> -> memref<128x4096xf32, #tpu.memory_space<vmem>>
    %dma_wait3A_179 = arith.constant 384 : i32
    %dma_wait3A_180 = arith.constant 0 : i32
    %dma_wait3A_181 = tpu.memref_slice %arg1[%dma_wait3A_179, %dma_wait3A_180] : memref<768x4096xf32, #tpu.memory_space<hbm>> -> memref<128x4096xf32, #tpu.memory_space<hbm>>
    tpu.wait_dma2 semaphore(%dma_wait3A_175 : memref<!tpu.dma_semaphore, #tpu.memory_space<semaphore_mem>>) src(%dma_wait3A_181 : memref<128x4096xf32, #tpu.memory_space<hbm>>) dst(%dma_wait3A_178 : memref<128x4096xf32, #tpu.memory_space<vmem>>)
    %get3A_182 = arith.constant 0 : index
    %get3A_183 = arith.constant 0 : index
    %get3A_184 = vector.load %arg0[%get3A_182, %get3A_183] : memref<32x4096xf32, #tpu.memory_space<vmem>>, vector<32x4096xf32>
    %get3A_185 = arith.constant 384 : index
    %get3A_186 = arith.constant 0 : index
    %get3A_187 = vector.load %arg8[%get3A_185, %get3A_186] : memref<768x4096xf32, #tpu.memory_space<vmem>>, vector<128x4096xf32>
    %dot_general3A_188 = arith.constant dense<0.000000e+00> : vector<32x128xf32>
    %dot_general3A_189 = tpu.matmul %get3A_184, %get3A_187, %dot_general3A_188 {dimension_numbers = #tpu.dot_dimension_numbers<[1], [1], [0], [0], [0, 0, 1, 0], [], []>, transpose_lhs_hint = false} : vector<32x4096xf32>, vector<128x4096xf32>, vector<32x128xf32> -> vector<32x128xf32>
    %dma_wait3A_190 = arith.constant 4 : i32
    %dma_wait3A_191 = tpu.memref_slice %arg10[%dma_wait3A_190] : memref<14x!tpu.dma_semaphore, #tpu.memory_space<semaphore_mem>> -> memref<1x!tpu.dma_semaphore, #tpu.memory_space<semaphore_mem>>
    %dma_wait3A_192 = tpu.memref_squeeze %dma_wait3A_191 : memref<1x!tpu.dma_semaphore, #tpu.memory_space<semaphore_mem>> -> memref<!tpu.dma_semaphore, #tpu.memory_space<semaphore_mem>>
    %dma_wait3A_193 = arith.constant 512 : i32
    %dma_wait3A_194 = arith.constant 0 : i32
    %dma_wait3A_195 = tpu.memref_slice %arg8[%dma_wait3A_193, %dma_wait3A_194] : memref<768x4096xf32, #tpu.memory_space<vmem>> -> memref<128x4096xf32, #tpu.memory_space<vmem>>
    %dma_wait3A_196 = arith.constant 512 : i32
    %dma_wait3A_197 = arith.constant 0 : i32
    %dma_wait3A_198 = tpu.memref_slice %arg1[%dma_wait3A_196, %dma_wait3A_197] : memref<768x4096xf32, #tpu.memory_space<hbm>> -> memref<128x4096xf32, #tpu.memory_space<hbm>>
    tpu.wait_dma2 semaphore(%dma_wait3A_192 : memref<!tpu.dma_semaphore, #tpu.memory_space<semaphore_mem>>) src(%dma_wait3A_198 : memref<128x4096xf32, #tpu.memory_space<hbm>>) dst(%dma_wait3A_195 : memref<128x4096xf32, #tpu.memory_space<vmem>>)
    %get3A_199 = arith.constant 0 : index
    %get3A_200 = arith.constant 0 : index
    %get3A_201 = vector.load %arg0[%get3A_199, %get3A_200] : memref<32x4096xf32, #tpu.memory_space<vmem>>, vector<32x4096xf32>
    %get3A_202 = arith.constant 512 : index
    %get3A_203 = arith.constant 0 : index
    %get3A_204 = vector.load %arg8[%get3A_202, %get3A_203] : memref<768x4096xf32, #tpu.memory_space<vmem>>, vector<128x4096xf32>
    %dot_general3A_205 = arith.constant dense<0.000000e+00> : vector<32x128xf32>
    %dot_general3A_206 = tpu.matmul %get3A_201, %get3A_204, %dot_general3A_205 {dimension_numbers = #tpu.dot_dimension_numbers<[1], [1], [0], [0], [0, 0, 1, 0], [], []>, transpose_lhs_hint = false} : vector<32x4096xf32>, vector<128x4096xf32>, vector<32x128xf32> -> vector<32x128xf32>
    %dma_wait3A_207 = arith.constant 5 : i32
    %dma_wait3A_208 = tpu.memref_slice %arg10[%dma_wait3A_207] : memref<14x!tpu.dma_semaphore, #tpu.memory_space<semaphore_mem>> -> memref<1x!tpu.dma_semaphore, #tpu.memory_space<semaphore_mem>>
    %dma_wait3A_209 = tpu.memref_squeeze %dma_wait3A_208 : memref<1x!tpu.dma_semaphore, #tpu.memory_space<semaphore_mem>> -> memref<!tpu.dma_semaphore, #tpu.memory_space<semaphore_mem>>
    %dma_wait3A_210 = arith.constant 640 : i32
    %dma_wait3A_211 = arith.constant 0 : i32
    %dma_wait3A_212 = tpu.memref_slice %arg8[%dma_wait3A_210, %dma_wait3A_211] : memref<768x4096xf32, #tpu.memory_space<vmem>> -> memref<128x4096xf32, #tpu.memory_space<vmem>>
    %dma_wait3A_213 = arith.constant 640 : i32
    %dma_wait3A_214 = arith.constant 0 : i32
    %dma_wait3A_215 = tpu.memref_slice %arg1[%dma_wait3A_213, %dma_wait3A_214] : memref<768x4096xf32, #tpu.memory_space<hbm>> -> memref<128x4096xf32, #tpu.memory_space<hbm>>
    tpu.wait_dma2 semaphore(%dma_wait3A_209 : memref<!tpu.dma_semaphore, #tpu.memory_space<semaphore_mem>>) src(%dma_wait3A_215 : memref<128x4096xf32, #tpu.memory_space<hbm>>) dst(%dma_wait3A_212 : memref<128x4096xf32, #tpu.memory_space<vmem>>)
    %get3A_216 = arith.constant 0 : index
    %get3A_217 = arith.constant 0 : index
    %get3A_218 = vector.load %arg0[%get3A_216, %get3A_217] : memref<32x4096xf32, #tpu.memory_space<vmem>>, vector<32x4096xf32>
    %get3A_219 = arith.constant 640 : index
    %get3A_220 = arith.constant 0 : index
    %get3A_221 = vector.load %arg8[%get3A_219, %get3A_220] : memref<768x4096xf32, #tpu.memory_space<vmem>>, vector<128x4096xf32>
    %dot_general3A_222 = arith.constant dense<0.000000e+00> : vector<32x128xf32>
    %dot_general3A_223 = tpu.matmul %get3A_218, %get3A_221, %dot_general3A_222 {dimension_numbers = #tpu.dot_dimension_numbers<[1], [1], [0], [0], [0, 0, 1, 0], [], []>, transpose_lhs_hint = false} : vector<32x4096xf32>, vector<128x4096xf32>, vector<32x128xf32> -> vector<32x128xf32>
    %concatenate3A = tpu.concatenate %dot_general3A_138, %dot_general3A_155, %dot_general3A_172, %dot_general3A_189, %dot_general3A_206, %dot_general3A_223 in 1 : vector<32x128xf32>, vector<32x128xf32>, vector<32x128xf32>, vector<32x128xf32>, vector<32x128xf32>, vector<32x128xf32> -> vector<32x768xf32>
    %get3A_224 = arith.constant 0 : index
    %get3A_225 = arith.constant 0 : index
    %get3A_226 = vector.load %arg3[%get3A_224, %get3A_225] : memref<1x768xf32, #tpu.memory_space<vmem>>, vector<1x768xf32>
    %get3A_227 = vector.shape_cast %get3A_226 : vector<1x768xf32> to vector<768xf32>
    %broadcast_in_dim3A = vector.shape_cast %get3A_227 : vector<768xf32> to vector<1x768xf32>
    %add3A = vector.broadcast %broadcast_in_dim3A : vector<1x768xf32> to vector<32x768xf32>
    %add3A_228 = arith.addf %concatenate3A, %add3A : vector<32x768xf32>
    %reshape3A = vector.shape_cast %add3A_228 : vector<32x768xf32> to vector<4x8x768xf32>
    %get3A_229 = arith.constant 0 : index
    %get3A_230 = arith.constant 0 : index
    %get3A_231 = vector.load %arg4[%get3A_229, %get3A_230] : memref<1x768xf32, #tpu.memory_space<vmem>>, vector<1x768xf32>
    %get3A_232 = vector.shape_cast %get3A_231 : vector<1x768xf32> to vector<768xf32>
    %broadcast_in_dim3A_233 = vector.shape_cast %get3A_232 : vector<768xf32> to vector<1x768xf32>
    %broadcast_in_dim3A_234 = arith.constant 0.000000e+00 : f32
    %broadcast_in_dim3A_235 = vector.broadcast %broadcast_in_dim3A_234 : f32 to vector<4x256xf32>
    %slice3A = vector.extract_strided_slice %reshape3A {offsets = [0, 0, 0], sizes = [4, 1, 768], strides = [1, 1, 1]} : vector<4x8x768xf32> to vector<4x1x768xf32>
    %squeeze3A = vector.shape_cast %slice3A : vector<4x1x768xf32> to vector<4x768xf32>
    %get3A_236 = arith.constant 0 : index
    %get3A_237 = arith.constant 0 : index
    %get3A_238 = vector.load %arg2[%get3A_236, %get3A_237] : memref<768x256xf32, #tpu.memory_space<vmem>>, vector<768x256xf32>
    %dot_general3A_239 = arith.constant dense<0.000000e+00> : vector<4x768xf32>
    %dot_general3A_240 = tpu.matmul %broadcast_in_dim3A_235, %get3A_238, %dot_general3A_239 {dimension_numbers = #tpu.dot_dimension_numbers<[1], [1], [0], [0], [0, 0, 1, 0], [], []>, transpose_lhs_hint = false} : vector<4x256xf32>, vector<768x256xf32>, vector<4x768xf32> -> vector<4x768xf32>
    %add3A_241 = vector.broadcast %broadcast_in_dim3A_233 : vector<1x768xf32> to vector<4x768xf32>
    %add3A_242 = arith.addf %dot_general3A_240, %add3A_241 : vector<4x768xf32>
    %slice3A_243 = vector.extract_strided_slice %squeeze3A {offsets = [0, 0], sizes = [4, 256], strides = [1, 1]} : vector<4x768xf32> to vector<4x256xf32>
    %slice3A_244 = vector.extract_strided_slice %add3A_242 {offsets = [0, 0], sizes = [4, 256], strides = [1, 1]} : vector<4x768xf32> to vector<4x256xf32>
    %add3A_245 = arith.addf %slice3A_243, %slice3A_244 : vector<4x256xf32>
    %logistic3A = arith.negf %add3A_245 : vector<4x256xf32>
    %logistic3A_246 = math.exp %logistic3A : vector<4x256xf32>
    %logistic3A_247 = arith.constant 1.000000e+00 : f32
    %logistic3A_248 = vector.broadcast %logistic3A_247 : f32 to vector<4x256xf32>
    %logistic3A_249 = arith.addf %logistic3A_248, %logistic3A_246 : vector<4x256xf32>
    %logistic3A_250 = arith.divf %logistic3A_248, %logistic3A_249 : vector<4x256xf32>
    %slice3A_251 = vector.extract_strided_slice %squeeze3A {offsets = [0, 256], sizes = [4, 256], strides = [1, 1]} : vector<4x768xf32> to vector<4x256xf32>
    %slice3A_252 = vector.extract_strided_slice %add3A_242 {offsets = [0, 256], sizes = [4, 256], strides = [1, 1]} : vector<4x768xf32> to vector<4x256xf32>
    %add3A_253 = arith.addf %slice3A_251, %slice3A_252 : vector<4x256xf32>
    %logistic3A_254 = arith.negf %add3A_253 : vector<4x256xf32>
    %logistic3A_255 = math.exp %logistic3A_254 : vector<4x256xf32>
    %logistic3A_256 = arith.constant 1.000000e+00 : f32
    %logistic3A_257 = vector.broadcast %logistic3A_256 : f32 to vector<4x256xf32>
    %logistic3A_258 = arith.addf %logistic3A_257, %logistic3A_255 : vector<4x256xf32>
    %logistic3A_259 = arith.divf %logistic3A_257, %logistic3A_258 : vector<4x256xf32>
    %slice3A_260 = vector.extract_strided_slice %squeeze3A {offsets = [0, 512], sizes = [4, 256], strides = [1, 1]} : vector<4x768xf32> to vector<4x256xf32>
    %slice3A_261 = vector.extract_strided_slice %add3A_242 {offsets = [0, 512], sizes = [4, 256], strides = [1, 1]} : vector<4x768xf32> to vector<4x256xf32>
    %mul3A = arith.mulf %logistic3A_250, %slice3A_261 : vector<4x256xf32>
    %add3A_262 = arith.addf %slice3A_260, %mul3A : vector<4x256xf32>
    %tanh3A = math.tanh %add3A_262 : vector<4x256xf32>
    %sub3A = arith.constant 1.000000e+00 : f32
    %sub3A_263 = vector.broadcast %sub3A : f32 to vector<4x256xf32>
    %sub3A_264 = arith.subf %sub3A_263, %logistic3A_259 : vector<4x256xf32>
    %mul3A_265 = arith.mulf %sub3A_264, %tanh3A : vector<4x256xf32>
    %mul3A_266 = arith.mulf %logistic3A_259, %broadcast_in_dim3A_235 : vector<4x256xf32>
    %add3A_267 = arith.addf %mul3A_265, %mul3A_266 : vector<4x256xf32>
    %slice3A_268 = vector.extract_strided_slice %reshape3A {offsets = [0, 1, 0], sizes = [4, 1, 768], strides = [1, 1, 1]} : vector<4x8x768xf32> to vector<4x1x768xf32>
    %squeeze3A_269 = vector.shape_cast %slice3A_268 : vector<4x1x768xf32> to vector<4x768xf32>
    %get3A_270 = arith.constant 0 : index
    %get3A_271 = arith.constant 0 : index
    %get3A_272 = vector.load %arg2[%get3A_270, %get3A_271] : memref<768x256xf32, #tpu.memory_space<vmem>>, vector<768x256xf32>
    %dot_general3A_273 = arith.constant dense<0.000000e+00> : vector<4x768xf32>
    %dot_general3A_274 = tpu.matmul %add3A_267, %get3A_272, %dot_general3A_273 {dimension_numbers = #tpu.dot_dimension_numbers<[1], [1], [0], [0], [0, 0, 1, 0], [], []>, transpose_lhs_hint = false} : vector<4x256xf32>, vector<768x256xf32>, vector<4x768xf32> -> vector<4x768xf32>
    %add3A_275 = vector.broadcast %broadcast_in_dim3A_233 : vector<1x768xf32> to vector<4x768xf32>
    %add3A_276 = arith.addf %dot_general3A_274, %add3A_275 : vector<4x768xf32>
    %slice3A_277 = vector.extract_strided_slice %squeeze3A_269 {offsets = [0, 0], sizes = [4, 256], strides = [1, 1]} : vector<4x768xf32> to vector<4x256xf32>
    %slice3A_278 = vector.extract_strided_slice %add3A_276 {offsets = [0, 0], sizes = [4, 256], strides = [1, 1]} : vector<4x768xf32> to vector<4x256xf32>
    %add3A_279 = arith.addf %slice3A_277, %slice3A_278 : vector<4x256xf32>
    %logistic3A_280 = arith.negf %add3A_279 : vector<4x256xf32>
    %logistic3A_281 = math.exp %logistic3A_280 : vector<4x256xf32>
    %logistic3A_282 = arith.constant 1.000000e+00 : f32
    %logistic3A_283 = vector.broadcast %logistic3A_282 : f32 to vector<4x256xf32>
    %logistic3A_284 = arith.addf %logistic3A_283, %logistic3A_281 : vector<4x256xf32>
    %logistic3A_285 = arith.divf %logistic3A_283, %logistic3A_284 : vector<4x256xf32>
    %slice3A_286 = vector.extract_strided_slice %squeeze3A_269 {offsets = [0, 256], sizes = [4, 256], strides = [1, 1]} : vector<4x768xf32> to vector<4x256xf32>
    %slice3A_287 = vector.extract_strided_slice %add3A_276 {offsets = [0, 256], sizes = [4, 256], strides = [1, 1]} : vector<4x768xf32> to vector<4x256xf32>
    %add3A_288 = arith.addf %slice3A_286, %slice3A_287 : vector<4x256xf32>
    %logistic3A_289 = arith.negf %add3A_288 : vector<4x256xf32>
    %logistic3A_290 = math.exp %logistic3A_289 : vector<4x256xf32>
    %logistic3A_291 = arith.constant 1.000000e+00 : f32
    %logistic3A_292 = vector.broadcast %logistic3A_291 : f32 to vector<4x256xf32>
    %logistic3A_293 = arith.addf %logistic3A_292, %logistic3A_290 : vector<4x256xf32>
    %logistic3A_294 = arith.divf %logistic3A_292, %logistic3A_293 : vector<4x256xf32>
    %slice3A_295 = vector.extract_strided_slice %squeeze3A_269 {offsets = [0, 512], sizes = [4, 256], strides = [1, 1]} : vector<4x768xf32> to vector<4x256xf32>
    %slice3A_296 = vector.extract_strided_slice %add3A_276 {offsets = [0, 512], sizes = [4, 256], strides = [1, 1]} : vector<4x768xf32> to vector<4x256xf32>
    %mul3A_297 = arith.mulf %logistic3A_285, %slice3A_296 : vector<4x256xf32>
    %add3A_298 = arith.addf %slice3A_295, %mul3A_297 : vector<4x256xf32>
    %tanh3A_299 = math.tanh %add3A_298 : vector<4x256xf32>
    %sub3A_300 = arith.constant 1.000000e+00 : f32
    %sub3A_301 = vector.broadcast %sub3A_300 : f32 to vector<4x256xf32>
    %sub3A_302 = arith.subf %sub3A_301, %logistic3A_294 : vector<4x256xf32>
    %mul3A_303 = arith.mulf %sub3A_302, %tanh3A_299 : vector<4x256xf32>
    %mul3A_304 = arith.mulf %logistic3A_294, %add3A_267 : vector<4x256xf32>
    %add3A_305 = arith.addf %mul3A_303, %mul3A_304 : vector<4x256xf32>
    %slice3A_306 = vector.extract_strided_slice %reshape3A {offsets = [0, 2, 0], sizes = [4, 1, 768], strides = [1, 1, 1]} : vector<4x8x768xf32> to vector<4x1x768xf32>
    %squeeze3A_307 = vector.shape_cast %slice3A_306 : vector<4x1x768xf32> to vector<4x768xf32>
    %get3A_308 = arith.constant 0 : index
    %get3A_309 = arith.constant 0 : index
    %get3A_310 = vector.load %arg2[%get3A_308, %get3A_309] : memref<768x256xf32, #tpu.memory_space<vmem>>, vector<768x256xf32>
    %dot_general3A_311 = arith.constant dense<0.000000e+00> : vector<4x768xf32>
    %dot_general3A_312 = tpu.matmul %add3A_305, %get3A_310, %dot_general3A_311 {dimension_numbers = #tpu.dot_dimension_numbers<[1], [1], [0], [0], [0, 0, 1, 0], [], []>, transpose_lhs_hint = false} : vector<4x256xf32>, vector<768x256xf32>, vector<4x768xf32> -> vector<4x768xf32>
    %add3A_313 = vector.broadcast %broadcast_in_dim3A_233 : vector<1x768xf32> to vector<4x768xf32>
    %add3A_314 = arith.addf %dot_general3A_312, %add3A_313 : vector<4x768xf32>
    %slice3A_315 = vector.extract_strided_slice %squeeze3A_307 {offsets = [0, 0], sizes = [4, 256], strides = [1, 1]} : vector<4x768xf32> to vector<4x256xf32>
    %slice3A_316 = vector.extract_strided_slice %add3A_314 {offsets = [0, 0], sizes = [4, 256], strides = [1, 1]} : vector<4x768xf32> to vector<4x256xf32>
    %add3A_317 = arith.addf %slice3A_315, %slice3A_316 : vector<4x256xf32>
    %logistic3A_318 = arith.negf %add3A_317 : vector<4x256xf32>
    %logistic3A_319 = math.exp %logistic3A_318 : vector<4x256xf32>
    %logistic3A_320 = arith.constant 1.000000e+00 : f32
    %logistic3A_321 = vector.broadcast %logistic3A_320 : f32 to vector<4x256xf32>
    %logistic3A_322 = arith.addf %logistic3A_321, %logistic3A_319 : vector<4x256xf32>
    %logistic3A_323 = arith.divf %logistic3A_321, %logistic3A_322 : vector<4x256xf32>
    %slice3A_324 = vector.extract_strided_slice %squeeze3A_307 {offsets = [0, 256], sizes = [4, 256], strides = [1, 1]} : vector<4x768xf32> to vector<4x256xf32>
    %slice3A_325 = vector.extract_strided_slice %add3A_314 {offsets = [0, 256], sizes = [4, 256], strides = [1, 1]} : vector<4x768xf32> to vector<4x256xf32>
    %add3A_326 = arith.addf %slice3A_324, %slice3A_325 : vector<4x256xf32>
    %logistic3A_327 = arith.negf %add3A_326 : vector<4x256xf32>
    %logistic3A_328 = math.exp %logistic3A_327 : vector<4x256xf32>
    %logistic3A_329 = arith.constant 1.000000e+00 : f32
    %logistic3A_330 = vector.broadcast %logistic3A_329 : f32 to vector<4x256xf32>
    %logistic3A_331 = arith.addf %logistic3A_330, %logistic3A_328 : vector<4x256xf32>
    %logistic3A_332 = arith.divf %logistic3A_330, %logistic3A_331 : vector<4x256xf32>
    %slice3A_333 = vector.extract_strided_slice %squeeze3A_307 {offsets = [0, 512], sizes = [4, 256], strides = [1, 1]} : vector<4x768xf32> to vector<4x256xf32>
    %slice3A_334 = vector.extract_strided_slice %add3A_314 {offsets = [0, 512], sizes = [4, 256], strides = [1, 1]} : vector<4x768xf32> to vector<4x256xf32>
    %mul3A_335 = arith.mulf %logistic3A_323, %slice3A_334 : vector<4x256xf32>
    %add3A_336 = arith.addf %slice3A_333, %mul3A_335 : vector<4x256xf32>
    %tanh3A_337 = math.tanh %add3A_336 : vector<4x256xf32>
    %sub3A_338 = arith.constant 1.000000e+00 : f32
    %sub3A_339 = vector.broadcast %sub3A_338 : f32 to vector<4x256xf32>
    %sub3A_340 = arith.subf %sub3A_339, %logistic3A_332 : vector<4x256xf32>
    %mul3A_341 = arith.mulf %sub3A_340, %tanh3A_337 : vector<4x256xf32>
    %mul3A_342 = arith.mulf %logistic3A_332, %add3A_305 : vector<4x256xf32>
    %add3A_343 = arith.addf %mul3A_341, %mul3A_342 : vector<4x256xf32>
    %slice3A_344 = vector.extract_strided_slice %reshape3A {offsets = [0, 3, 0], sizes = [4, 1, 768], strides = [1, 1, 1]} : vector<4x8x768xf32> to vector<4x1x768xf32>
    %squeeze3A_345 = vector.shape_cast %slice3A_344 : vector<4x1x768xf32> to vector<4x768xf32>
    %get3A_346 = arith.constant 0 : index
    %get3A_347 = arith.constant 0 : index
    %get3A_348 = vector.load %arg2[%get3A_346, %get3A_347] : memref<768x256xf32, #tpu.memory_space<vmem>>, vector<768x256xf32>
    %dot_general3A_349 = arith.constant dense<0.000000e+00> : vector<4x768xf32>
    %dot_general3A_350 = tpu.matmul %add3A_343, %get3A_348, %dot_general3A_349 {dimension_numbers = #tpu.dot_dimension_numbers<[1], [1], [0], [0], [0, 0, 1, 0], [], []>, transpose_lhs_hint = false} : vector<4x256xf32>, vector<768x256xf32>, vector<4x768xf32> -> vector<4x768xf32>
    %add3A_351 = vector.broadcast %broadcast_in_dim3A_233 : vector<1x768xf32> to vector<4x768xf32>
    %add3A_352 = arith.addf %dot_general3A_350, %add3A_351 : vector<4x768xf32>
    %slice3A_353 = vector.extract_strided_slice %squeeze3A_345 {offsets = [0, 0], sizes = [4, 256], strides = [1, 1]} : vector<4x768xf32> to vector<4x256xf32>
    %slice3A_354 = vector.extract_strided_slice %add3A_352 {offsets = [0, 0], sizes = [4, 256], strides = [1, 1]} : vector<4x768xf32> to vector<4x256xf32>
    %add3A_355 = arith.addf %slice3A_353, %slice3A_354 : vector<4x256xf32>
    %logistic3A_356 = arith.negf %add3A_355 : vector<4x256xf32>
    %logistic3A_357 = math.exp %logistic3A_356 : vector<4x256xf32>
    %logistic3A_358 = arith.constant 1.000000e+00 : f32
    %logistic3A_359 = vector.broadcast %logistic3A_358 : f32 to vector<4x256xf32>
    %logistic3A_360 = arith.addf %logistic3A_359, %logistic3A_357 : vector<4x256xf32>
    %logistic3A_361 = arith.divf %logistic3A_359, %logistic3A_360 : vector<4x256xf32>
    %slice3A_362 = vector.extract_strided_slice %squeeze3A_345 {offsets = [0, 256], sizes = [4, 256], strides = [1, 1]} : vector<4x768xf32> to vector<4x256xf32>
    %slice3A_363 = vector.extract_strided_slice %add3A_352 {offsets = [0, 256], sizes = [4, 256], strides = [1, 1]} : vector<4x768xf32> to vector<4x256xf32>
    %add3A_364 = arith.addf %slice3A_362, %slice3A_363 : vector<4x256xf32>
    %logistic3A_365 = arith.negf %add3A_364 : vector<4x256xf32>
    %logistic3A_366 = math.exp %logistic3A_365 : vector<4x256xf32>
    %logistic3A_367 = arith.constant 1.000000e+00 : f32
    %logistic3A_368 = vector.broadcast %logistic3A_367 : f32 to vector<4x256xf32>
    %logistic3A_369 = arith.addf %logistic3A_368, %logistic3A_366 : vector<4x256xf32>
    %logistic3A_370 = arith.divf %logistic3A_368, %logistic3A_369 : vector<4x256xf32>
    %slice3A_371 = vector.extract_strided_slice %squeeze3A_345 {offsets = [0, 512], sizes = [4, 256], strides = [1, 1]} : vector<4x768xf32> to vector<4x256xf32>
    %slice3A_372 = vector.extract_strided_slice %add3A_352 {offsets = [0, 512], sizes = [4, 256], strides = [1, 1]} : vector<4x768xf32> to vector<4x256xf32>
    %mul3A_373 = arith.mulf %logistic3A_361, %slice3A_372 : vector<4x256xf32>
    %add3A_374 = arith.addf %slice3A_371, %mul3A_373 : vector<4x256xf32>
    %tanh3A_375 = math.tanh %add3A_374 : vector<4x256xf32>
    %sub3A_376 = arith.constant 1.000000e+00 : f32
    %sub3A_377 = vector.broadcast %sub3A_376 : f32 to vector<4x256xf32>
    %sub3A_378 = arith.subf %sub3A_377, %logistic3A_370 : vector<4x256xf32>
    %mul3A_379 = arith.mulf %sub3A_378, %tanh3A_375 : vector<4x256xf32>
    %mul3A_380 = arith.mulf %logistic3A_370, %add3A_343 : vector<4x256xf32>
    %add3A_381 = arith.addf %mul3A_379, %mul3A_380 : vector<4x256xf32>
    %slice3A_382 = vector.extract_strided_slice %reshape3A {offsets = [0, 4, 0], sizes = [4, 1, 768], strides = [1, 1, 1]} : vector<4x8x768xf32> to vector<4x1x768xf32>
    %squeeze3A_383 = vector.shape_cast %slice3A_382 : vector<4x1x768xf32> to vector<4x768xf32>
    %get3A_384 = arith.constant 0 : index
    %get3A_385 = arith.constant 0 : index
    %get3A_386 = vector.load %arg2[%get3A_384, %get3A_385] : memref<768x256xf32, #tpu.memory_space<vmem>>, vector<768x256xf32>
    %dot_general3A_387 = arith.constant dense<0.000000e+00> : vector<4x768xf32>
    %dot_general3A_388 = tpu.matmul %add3A_381, %get3A_386, %dot_general3A_387 {dimension_numbers = #tpu.dot_dimension_numbers<[1], [1], [0], [0], [0, 0, 1, 0], [], []>, transpose_lhs_hint = false} : vector<4x256xf32>, vector<768x256xf32>, vector<4x768xf32> -> vector<4x768xf32>
    %add3A_389 = vector.broadcast %broadcast_in_dim3A_233 : vector<1x768xf32> to vector<4x768xf32>
    %add3A_390 = arith.addf %dot_general3A_388, %add3A_389 : vector<4x768xf32>
    %slice3A_391 = vector.extract_strided_slice %squeeze3A_383 {offsets = [0, 0], sizes = [4, 256], strides = [1, 1]} : vector<4x768xf32> to vector<4x256xf32>
    %slice3A_392 = vector.extract_strided_slice %add3A_390 {offsets = [0, 0], sizes = [4, 256], strides = [1, 1]} : vector<4x768xf32> to vector<4x256xf32>
    %add3A_393 = arith.addf %slice3A_391, %slice3A_392 : vector<4x256xf32>
    %logistic3A_394 = arith.negf %add3A_393 : vector<4x256xf32>
    %logistic3A_395 = math.exp %logistic3A_394 : vector<4x256xf32>
    %logistic3A_396 = arith.constant 1.000000e+00 : f32
    %logistic3A_397 = vector.broadcast %logistic3A_396 : f32 to vector<4x256xf32>
    %logistic3A_398 = arith.addf %logistic3A_397, %logistic3A_395 : vector<4x256xf32>
    %logistic3A_399 = arith.divf %logistic3A_397, %logistic3A_398 : vector<4x256xf32>
    %slice3A_400 = vector.extract_strided_slice %squeeze3A_383 {offsets = [0, 256], sizes = [4, 256], strides = [1, 1]} : vector<4x768xf32> to vector<4x256xf32>
    %slice3A_401 = vector.extract_strided_slice %add3A_390 {offsets = [0, 256], sizes = [4, 256], strides = [1, 1]} : vector<4x768xf32> to vector<4x256xf32>
    %add3A_402 = arith.addf %slice3A_400, %slice3A_401 : vector<4x256xf32>
    %logistic3A_403 = arith.negf %add3A_402 : vector<4x256xf32>
    %logistic3A_404 = math.exp %logistic3A_403 : vector<4x256xf32>
    %logistic3A_405 = arith.constant 1.000000e+00 : f32
    %logistic3A_406 = vector.broadcast %logistic3A_405 : f32 to vector<4x256xf32>
    %logistic3A_407 = arith.addf %logistic3A_406, %logistic3A_404 : vector<4x256xf32>
    %logistic3A_408 = arith.divf %logistic3A_406, %logistic3A_407 : vector<4x256xf32>
    %slice3A_409 = vector.extract_strided_slice %squeeze3A_383 {offsets = [0, 512], sizes = [4, 256], strides = [1, 1]} : vector<4x768xf32> to vector<4x256xf32>
    %slice3A_410 = vector.extract_strided_slice %add3A_390 {offsets = [0, 512], sizes = [4, 256], strides = [1, 1]} : vector<4x768xf32> to vector<4x256xf32>
    %mul3A_411 = arith.mulf %logistic3A_399, %slice3A_410 : vector<4x256xf32>
    %add3A_412 = arith.addf %slice3A_409, %mul3A_411 : vector<4x256xf32>
    %tanh3A_413 = math.tanh %add3A_412 : vector<4x256xf32>
    %sub3A_414 = arith.constant 1.000000e+00 : f32
    %sub3A_415 = vector.broadcast %sub3A_414 : f32 to vector<4x256xf32>
    %sub3A_416 = arith.subf %sub3A_415, %logistic3A_408 : vector<4x256xf32>
    %mul3A_417 = arith.mulf %sub3A_416, %tanh3A_413 : vector<4x256xf32>
    %mul3A_418 = arith.mulf %logistic3A_408, %add3A_381 : vector<4x256xf32>
    %add3A_419 = arith.addf %mul3A_417, %mul3A_418 : vector<4x256xf32>
    %slice3A_420 = vector.extract_strided_slice %reshape3A {offsets = [0, 5, 0], sizes = [4, 1, 768], strides = [1, 1, 1]} : vector<4x8x768xf32> to vector<4x1x768xf32>
    %squeeze3A_421 = vector.shape_cast %slice3A_420 : vector<4x1x768xf32> to vector<4x768xf32>
    %get3A_422 = arith.constant 0 : index
    %get3A_423 = arith.constant 0 : index
    %get3A_424 = vector.load %arg2[%get3A_422, %get3A_423] : memref<768x256xf32, #tpu.memory_space<vmem>>, vector<768x256xf32>
    %dot_general3A_425 = arith.constant dense<0.000000e+00> : vector<4x768xf32>
    %dot_general3A_426 = tpu.matmul %add3A_419, %get3A_424, %dot_general3A_425 {dimension_numbers = #tpu.dot_dimension_numbers<[1], [1], [0], [0], [0, 0, 1, 0], [], []>, transpose_lhs_hint = false} : vector<4x256xf32>, vector<768x256xf32>, vector<4x768xf32> -> vector<4x768xf32>
    %add3A_427 = vector.broadcast %broadcast_in_dim3A_233 : vector<1x768xf32> to vector<4x768xf32>
    %add3A_428 = arith.addf %dot_general3A_426, %add3A_427 : vector<4x768xf32>
    %slice3A_429 = vector.extract_strided_slice %squeeze3A_421 {offsets = [0, 0], sizes = [4, 256], strides = [1, 1]} : vector<4x768xf32> to vector<4x256xf32>
    %slice3A_430 = vector.extract_strided_slice %add3A_428 {offsets = [0, 0], sizes = [4, 256], strides = [1, 1]} : vector<4x768xf32> to vector<4x256xf32>
    %add3A_431 = arith.addf %slice3A_429, %slice3A_430 : vector<4x256xf32>
    %logistic3A_432 = arith.negf %add3A_431 : vector<4x256xf32>
    %logistic3A_433 = math.exp %logistic3A_432 : vector<4x256xf32>
    %logistic3A_434 = arith.constant 1.000000e+00 : f32
    %logistic3A_435 = vector.broadcast %logistic3A_434 : f32 to vector<4x256xf32>
    %logistic3A_436 = arith.addf %logistic3A_435, %logistic3A_433 : vector<4x256xf32>
    %logistic3A_437 = arith.divf %logistic3A_435, %logistic3A_436 : vector<4x256xf32>
    %slice3A_438 = vector.extract_strided_slice %squeeze3A_421 {offsets = [0, 256], sizes = [4, 256], strides = [1, 1]} : vector<4x768xf32> to vector<4x256xf32>
    %slice3A_439 = vector.extract_strided_slice %add3A_428 {offsets = [0, 256], sizes = [4, 256], strides = [1, 1]} : vector<4x768xf32> to vector<4x256xf32>
    %add3A_440 = arith.addf %slice3A_438, %slice3A_439 : vector<4x256xf32>
    %logistic3A_441 = arith.negf %add3A_440 : vector<4x256xf32>
    %logistic3A_442 = math.exp %logistic3A_441 : vector<4x256xf32>
    %logistic3A_443 = arith.constant 1.000000e+00 : f32
    %logistic3A_444 = vector.broadcast %logistic3A_443 : f32 to vector<4x256xf32>
    %logistic3A_445 = arith.addf %logistic3A_444, %logistic3A_442 : vector<4x256xf32>
    %logistic3A_446 = arith.divf %logistic3A_444, %logistic3A_445 : vector<4x256xf32>
    %slice3A_447 = vector.extract_strided_slice %squeeze3A_421 {offsets = [0, 512], sizes = [4, 256], strides = [1, 1]} : vector<4x768xf32> to vector<4x256xf32>
    %slice3A_448 = vector.extract_strided_slice %add3A_428 {offsets = [0, 512], sizes = [4, 256], strides = [1, 1]} : vector<4x768xf32> to vector<4x256xf32>
    %mul3A_449 = arith.mulf %logistic3A_437, %slice3A_448 : vector<4x256xf32>
    %add3A_450 = arith.addf %slice3A_447, %mul3A_449 : vector<4x256xf32>
    %tanh3A_451 = math.tanh %add3A_450 : vector<4x256xf32>
    %sub3A_452 = arith.constant 1.000000e+00 : f32
    %sub3A_453 = vector.broadcast %sub3A_452 : f32 to vector<4x256xf32>
    %sub3A_454 = arith.subf %sub3A_453, %logistic3A_446 : vector<4x256xf32>
    %mul3A_455 = arith.mulf %sub3A_454, %tanh3A_451 : vector<4x256xf32>
    %mul3A_456 = arith.mulf %logistic3A_446, %add3A_419 : vector<4x256xf32>
    %add3A_457 = arith.addf %mul3A_455, %mul3A_456 : vector<4x256xf32>
    %slice3A_458 = vector.extract_strided_slice %reshape3A {offsets = [0, 6, 0], sizes = [4, 1, 768], strides = [1, 1, 1]} : vector<4x8x768xf32> to vector<4x1x768xf32>
    %squeeze3A_459 = vector.shape_cast %slice3A_458 : vector<4x1x768xf32> to vector<4x768xf32>
    %get3A_460 = arith.constant 0 : index
    %get3A_461 = arith.constant 0 : index
    %get3A_462 = vector.load %arg2[%get3A_460, %get3A_461] : memref<768x256xf32, #tpu.memory_space<vmem>>, vector<768x256xf32>
    %dot_general3A_463 = arith.constant dense<0.000000e+00> : vector<4x768xf32>
    %dot_general3A_464 = tpu.matmul %add3A_457, %get3A_462, %dot_general3A_463 {dimension_numbers = #tpu.dot_dimension_numbers<[1], [1], [0], [0], [0, 0, 1, 0], [], []>, transpose_lhs_hint = false} : vector<4x256xf32>, vector<768x256xf32>, vector<4x768xf32> -> vector<4x768xf32>
    %add3A_465 = vector.broadcast %broadcast_in_dim3A_233 : vector<1x768xf32> to vector<4x768xf32>
    %add3A_466 = arith.addf %dot_general3A_464, %add3A_465 : vector<4x768xf32>
    %slice3A_467 = vector.extract_strided_slice %squeeze3A_459 {offsets = [0, 0], sizes = [4, 256], strides = [1, 1]} : vector<4x768xf32> to vector<4x256xf32>
    %slice3A_468 = vector.extract_strided_slice %add3A_466 {offsets = [0, 0], sizes = [4, 256], strides = [1, 1]} : vector<4x768xf32> to vector<4x256xf32>
    %add3A_469 = arith.addf %slice3A_467, %slice3A_468 : vector<4x256xf32>
    %logistic3A_470 = arith.negf %add3A_469 : vector<4x256xf32>
    %logistic3A_471 = math.exp %logistic3A_470 : vector<4x256xf32>
    %logistic3A_472 = arith.constant 1.000000e+00 : f32
    %logistic3A_473 = vector.broadcast %logistic3A_472 : f32 to vector<4x256xf32>
    %logistic3A_474 = arith.addf %logistic3A_473, %logistic3A_471 : vector<4x256xf32>
    %logistic3A_475 = arith.divf %logistic3A_473, %logistic3A_474 : vector<4x256xf32>
    %slice3A_476 = vector.extract_strided_slice %squeeze3A_459 {offsets = [0, 256], sizes = [4, 256], strides = [1, 1]} : vector<4x768xf32> to vector<4x256xf32>
    %slice3A_477 = vector.extract_strided_slice %add3A_466 {offsets = [0, 256], sizes = [4, 256], strides = [1, 1]} : vector<4x768xf32> to vector<4x256xf32>
    %add3A_478 = arith.addf %slice3A_476, %slice3A_477 : vector<4x256xf32>
    %logistic3A_479 = arith.negf %add3A_478 : vector<4x256xf32>
    %logistic3A_480 = math.exp %logistic3A_479 : vector<4x256xf32>
    %logistic3A_481 = arith.constant 1.000000e+00 : f32
    %logistic3A_482 = vector.broadcast %logistic3A_481 : f32 to vector<4x256xf32>
    %logistic3A_483 = arith.addf %logistic3A_482, %logistic3A_480 : vector<4x256xf32>
    %logistic3A_484 = arith.divf %logistic3A_482, %logistic3A_483 : vector<4x256xf32>
    %slice3A_485 = vector.extract_strided_slice %squeeze3A_459 {offsets = [0, 512], sizes = [4, 256], strides = [1, 1]} : vector<4x768xf32> to vector<4x256xf32>
    %slice3A_486 = vector.extract_strided_slice %add3A_466 {offsets = [0, 512], sizes = [4, 256], strides = [1, 1]} : vector<4x768xf32> to vector<4x256xf32>
    %mul3A_487 = arith.mulf %logistic3A_475, %slice3A_486 : vector<4x256xf32>
    %add3A_488 = arith.addf %slice3A_485, %mul3A_487 : vector<4x256xf32>
    %tanh3A_489 = math.tanh %add3A_488 : vector<4x256xf32>
    %sub3A_490 = arith.constant 1.000000e+00 : f32
    %sub3A_491 = vector.broadcast %sub3A_490 : f32 to vector<4x256xf32>
    %sub3A_492 = arith.subf %sub3A_491, %logistic3A_484 : vector<4x256xf32>
    %mul3A_493 = arith.mulf %sub3A_492, %tanh3A_489 : vector<4x256xf32>
    %mul3A_494 = arith.mulf %logistic3A_484, %add3A_457 : vector<4x256xf32>
    %add3A_495 = arith.addf %mul3A_493, %mul3A_494 : vector<4x256xf32>
    %slice3A_496 = vector.extract_strided_slice %reshape3A {offsets = [0, 7, 0], sizes = [4, 1, 768], strides = [1, 1, 1]} : vector<4x8x768xf32> to vector<4x1x768xf32>
    %squeeze3A_497 = vector.shape_cast %slice3A_496 : vector<4x1x768xf32> to vector<4x768xf32>
    %get3A_498 = arith.constant 0 : index
    %get3A_499 = arith.constant 0 : index
    %get3A_500 = vector.load %arg2[%get3A_498, %get3A_499] : memref<768x256xf32, #tpu.memory_space<vmem>>, vector<768x256xf32>
    %dot_general3A_501 = arith.constant dense<0.000000e+00> : vector<4x768xf32>
    %dot_general3A_502 = tpu.matmul %add3A_495, %get3A_500, %dot_general3A_501 {dimension_numbers = #tpu.dot_dimension_numbers<[1], [1], [0], [0], [0, 0, 1, 0], [], []>, transpose_lhs_hint = false} : vector<4x256xf32>, vector<768x256xf32>, vector<4x768xf32> -> vector<4x768xf32>
    %add3A_503 = vector.broadcast %broadcast_in_dim3A_233 : vector<1x768xf32> to vector<4x768xf32>
    %add3A_504 = arith.addf %dot_general3A_502, %add3A_503 : vector<4x768xf32>
    %slice3A_505 = vector.extract_strided_slice %squeeze3A_497 {offsets = [0, 0], sizes = [4, 256], strides = [1, 1]} : vector<4x768xf32> to vector<4x256xf32>
    %slice3A_506 = vector.extract_strided_slice %add3A_504 {offsets = [0, 0], sizes = [4, 256], strides = [1, 1]} : vector<4x768xf32> to vector<4x256xf32>
    %add3A_507 = arith.addf %slice3A_505, %slice3A_506 : vector<4x256xf32>
    %logistic3A_508 = arith.negf %add3A_507 : vector<4x256xf32>
    %logistic3A_509 = math.exp %logistic3A_508 : vector<4x256xf32>
    %logistic3A_510 = arith.constant 1.000000e+00 : f32
    %logistic3A_511 = vector.broadcast %logistic3A_510 : f32 to vector<4x256xf32>
    %logistic3A_512 = arith.addf %logistic3A_511, %logistic3A_509 : vector<4x256xf32>
    %logistic3A_513 = arith.divf %logistic3A_511, %logistic3A_512 : vector<4x256xf32>
    %slice3A_514 = vector.extract_strided_slice %squeeze3A_497 {offsets = [0, 256], sizes = [4, 256], strides = [1, 1]} : vector<4x768xf32> to vector<4x256xf32>
    %slice3A_515 = vector.extract_strided_slice %add3A_504 {offsets = [0, 256], sizes = [4, 256], strides = [1, 1]} : vector<4x768xf32> to vector<4x256xf32>
    %add3A_516 = arith.addf %slice3A_514, %slice3A_515 : vector<4x256xf32>
    %logistic3A_517 = arith.negf %add3A_516 : vector<4x256xf32>
    %logistic3A_518 = math.exp %logistic3A_517 : vector<4x256xf32>
    %logistic3A_519 = arith.constant 1.000000e+00 : f32
    %logistic3A_520 = vector.broadcast %logistic3A_519 : f32 to vector<4x256xf32>
    %logistic3A_521 = arith.addf %logistic3A_520, %logistic3A_518 : vector<4x256xf32>
    %logistic3A_522 = arith.divf %logistic3A_520, %logistic3A_521 : vector<4x256xf32>
    %slice3A_523 = vector.extract_strided_slice %squeeze3A_497 {offsets = [0, 512], sizes = [4, 256], strides = [1, 1]} : vector<4x768xf32> to vector<4x256xf32>
    %slice3A_524 = vector.extract_strided_slice %add3A_504 {offsets = [0, 512], sizes = [4, 256], strides = [1, 1]} : vector<4x768xf32> to vector<4x256xf32>
    %mul3A_525 = arith.mulf %logistic3A_513, %slice3A_524 : vector<4x256xf32>
    %add3A_526 = arith.addf %slice3A_523, %mul3A_525 : vector<4x256xf32>
    %tanh3A_527 = math.tanh %add3A_526 : vector<4x256xf32>
    %sub3A_528 = arith.constant 1.000000e+00 : f32
    %sub3A_529 = vector.broadcast %sub3A_528 : f32 to vector<4x256xf32>
    %sub3A_530 = arith.subf %sub3A_529, %logistic3A_522 : vector<4x256xf32>
    %mul3A_531 = arith.mulf %sub3A_530, %tanh3A_527 : vector<4x256xf32>
    %mul3A_532 = arith.mulf %logistic3A_522, %add3A_495 : vector<4x256xf32>
    %add3A_533 = arith.addf %mul3A_531, %mul3A_532 : vector<4x256xf32>
    %dma_wait3A_534 = arith.constant 6 : i32
    %dma_wait3A_535 = tpu.memref_slice %arg10[%dma_wait3A_534] : memref<14x!tpu.dma_semaphore, #tpu.memory_space<semaphore_mem>> -> memref<1x!tpu.dma_semaphore, #tpu.memory_space<semaphore_mem>>
    %dma_wait3A_536 = tpu.memref_squeeze %dma_wait3A_535 : memref<1x!tpu.dma_semaphore, #tpu.memory_space<semaphore_mem>> -> memref<!tpu.dma_semaphore, #tpu.memory_space<semaphore_mem>>
    %dma_wait3A_537 = arith.constant 0 : i32
    %dma_wait3A_538 = arith.constant 0 : i32
    %dma_wait3A_539 = tpu.memref_slice %arg9[%dma_wait3A_537, %dma_wait3A_538] : memref<256x8128xf32, #tpu.memory_space<vmem>> -> memref<256x1024xf32, #tpu.memory_space<vmem>>
    %dma_wait3A_540 = arith.constant 0 : i32
    %dma_wait3A_541 = arith.constant 0 : i32
    %dma_wait3A_542 = tpu.memref_slice %arg5[%dma_wait3A_540, %dma_wait3A_541] : memref<256x8128xf32, #tpu.memory_space<hbm>> -> memref<256x1024xf32, #tpu.memory_space<hbm>>
    tpu.wait_dma2 semaphore(%dma_wait3A_536 : memref<!tpu.dma_semaphore, #tpu.memory_space<semaphore_mem>>) src(%dma_wait3A_542 : memref<256x1024xf32, #tpu.memory_space<hbm>>) dst(%dma_wait3A_539 : memref<256x1024xf32, #tpu.memory_space<vmem>>)
    %get3A_543 = arith.constant 0 : index
    %get3A_544 = arith.constant 0 : index
    %get3A_545 = vector.load %arg9[%get3A_543, %get3A_544] : memref<256x8128xf32, #tpu.memory_space<vmem>>, vector<256x1024xf32>
    %dot_general3A_546 = arith.constant dense<0.000000e+00> : vector<4x1024xf32>
    %dot_general3A_547 = tpu.matmul %add3A_533, %get3A_545, %dot_general3A_546 {dimension_numbers = #tpu.dot_dimension_numbers<[1], [0], [0], [1], [0, 0, 1, 1], [], []>, transpose_lhs_hint = false} : vector<4x256xf32>, vector<256x1024xf32>, vector<4x1024xf32> -> vector<4x1024xf32>
    %get3A_548 = arith.constant 0 : index
    %get3A_549 = arith.constant 0 : index
    %get3A_550 = vector.load %arg6[%get3A_548, %get3A_549] : memref<1x8128xf32, #tpu.memory_space<vmem>>, vector<1x1024xf32>
    %get3A_551 = vector.shape_cast %get3A_550 : vector<1x1024xf32> to vector<1024xf32>
    %broadcast_in_dim3A_552 = vector.shape_cast %get3A_551 : vector<1024xf32> to vector<1x1024xf32>
    %add3A_553 = vector.broadcast %broadcast_in_dim3A_552 : vector<1x1024xf32> to vector<4x1024xf32>
    %add3A_554 = arith.addf %dot_general3A_547, %add3A_553 : vector<4x1024xf32>
    %swap3A = arith.constant 0 : index
    %swap3A_555 = arith.constant 0 : index
    %swap3A_556 = vector.load %arg7[%swap3A, %swap3A_555] : memref<4x8128xf32, #tpu.memory_space<vmem>>, vector<4x1024xf32>
    tpu.vector_store %arg7[%swap3A, %swap3A_555], %add3A_554 {strides = array<i32>} : memref<4x8128xf32, #tpu.memory_space<vmem>>, vector<4x1024xf32>,
    %dma_wait3A_557 = arith.constant 7 : i32
    %dma_wait3A_558 = tpu.memref_slice %arg10[%dma_wait3A_557] : memref<14x!tpu.dma_semaphore, #tpu.memory_space<semaphore_mem>> -> memref<1x!tpu.dma_semaphore, #tpu.memory_space<semaphore_mem>>
    %dma_wait3A_559 = tpu.memref_squeeze %dma_wait3A_558 : memref<1x!tpu.dma_semaphore, #tpu.memory_space<semaphore_mem>> -> memref<!tpu.dma_semaphore, #tpu.memory_space<semaphore_mem>>
    %dma_wait3A_560 = arith.constant 0 : i32
    %dma_wait3A_561 = arith.constant 1024 : i32
    %dma_wait3A_562 = tpu.memref_slice %arg9[%dma_wait3A_560, %dma_wait3A_561] : memref<256x8128xf32, #tpu.memory_space<vmem>> -> memref<256x1024xf32, #tpu.memory_space<vmem>>
    %dma_wait3A_563 = arith.constant 0 : i32
    %dma_wait3A_564 = arith.constant 1024 : i32
    %dma_wait3A_565 = tpu.memref_slice %arg5[%dma_wait3A_563, %dma_wait3A_564] : memref<256x8128xf32, #tpu.memory_space<hbm>> -> memref<256x1024xf32, #tpu.memory_space<hbm>>
    tpu.wait_dma2 semaphore(%dma_wait3A_559 : memref<!tpu.dma_semaphore, #tpu.memory_space<semaphore_mem>>) src(%dma_wait3A_565 : memref<256x1024xf32, #tpu.memory_space<hbm>>) dst(%dma_wait3A_562 : memref<256x1024xf32, #tpu.memory_space<vmem>>)
    %get3A_566 = arith.constant 0 : index
    %get3A_567 = arith.constant 1024 : index
    %get3A_568 = vector.load %arg9[%get3A_566, %get3A_567] : memref<256x8128xf32, #tpu.memory_space<vmem>>, vector<256x1024xf32>
    %dot_general3A_569 = arith.constant dense<0.000000e+00> : vector<4x1024xf32>
    %dot_general3A_570 = tpu.matmul %add3A_533, %get3A_568, %dot_general3A_569 {dimension_numbers = #tpu.dot_dimension_numbers<[1], [0], [0], [1], [0, 0, 1, 1], [], []>, transpose_lhs_hint = false} : vector<4x256xf32>, vector<256x1024xf32>, vector<4x1024xf32> -> vector<4x1024xf32>
    %get3A_571 = arith.constant 0 : index
    %get3A_572 = arith.constant 1024 : index
    %get3A_573 = vector.load %arg6[%get3A_571, %get3A_572] : memref<1x8128xf32, #tpu.memory_space<vmem>>, vector<1x1024xf32>
    %get3A_574 = vector.shape_cast %get3A_573 : vector<1x1024xf32> to vector<1024xf32>
    %broadcast_in_dim3A_575 = vector.shape_cast %get3A_574 : vector<1024xf32> to vector<1x1024xf32>
    %add3A_576 = vector.broadcast %broadcast_in_dim3A_575 : vector<1x1024xf32> to vector<4x1024xf32>
    %add3A_577 = arith.addf %dot_general3A_570, %add3A_576 : vector<4x1024xf32>
    %swap3A_578 = arith.constant 0 : index
    %swap3A_579 = arith.constant 1024 : index
    %swap3A_580 = vector.load %arg7[%swap3A_578, %swap3A_579] : memref<4x8128xf32, #tpu.memory_space<vmem>>, vector<4x1024xf32>
    tpu.vector_store %arg7[%swap3A_578, %swap3A_579], %add3A_577 {strides = array<i32>} : memref<4x8128xf32, #tpu.memory_space<vmem>>, vector<4x1024xf32>,
    %dma_wait3A_581 = arith.constant 8 : i32
    %dma_wait3A_582 = tpu.memref_slice %arg10[%dma_wait3A_581] : memref<14x!tpu.dma_semaphore, #tpu.memory_space<semaphore_mem>> -> memref<1x!tpu.dma_semaphore, #tpu.memory_space<semaphore_mem>>
    %dma_wait3A_583 = tpu.memref_squeeze %dma_wait3A_582 : memref<1x!tpu.dma_semaphore, #tpu.memory_space<semaphore_mem>> -> memref<!tpu.dma_semaphore, #tpu.memory_space<semaphore_mem>>
    %dma_wait3A_584 = arith.constant 0 : i32
    %dma_wait3A_585 = arith.constant 2048 : i32
    %dma_wait3A_586 = tpu.memref_slice %arg9[%dma_wait3A_584, %dma_wait3A_585] : memref<256x8128xf32, #tpu.memory_space<vmem>> -> memref<256x1024xf32, #tpu.memory_space<vmem>>
    %dma_wait3A_587 = arith.constant 0 : i32
    %dma_wait3A_588 = arith.constant 2048 : i32
    %dma_wait3A_589 = tpu.memref_slice %arg5[%dma_wait3A_587, %dma_wait3A_588] : memref<256x8128xf32, #tpu.memory_space<hbm>> -> memref<256x1024xf32, #tpu.memory_space<hbm>>
    tpu.wait_dma2 semaphore(%dma_wait3A_583 : memref<!tpu.dma_semaphore, #tpu.memory_space<semaphore_mem>>) src(%dma_wait3A_589 : memref<256x1024xf32, #tpu.memory_space<hbm>>) dst(%dma_wait3A_586 : memref<256x1024xf32, #tpu.memory_space<vmem>>)
    %get3A_590 = arith.constant 0 : index
    %get3A_591 = arith.constant 2048 : index
    %get3A_592 = vector.load %arg9[%get3A_590, %get3A_591] : memref<256x8128xf32, #tpu.memory_space<vmem>>, vector<256x1024xf32>
    %dot_general3A_593 = arith.constant dense<0.000000e+00> : vector<4x1024xf32>
    %dot_general3A_594 = tpu.matmul %add3A_533, %get3A_592, %dot_general3A_593 {dimension_numbers = #tpu.dot_dimension_numbers<[1], [0], [0], [1], [0, 0, 1, 1], [], []>, transpose_lhs_hint = false} : vector<4x256xf32>, vector<256x1024xf32>, vector<4x1024xf32> -> vector<4x1024xf32>
    %get3A_595 = arith.constant 0 : index
    %get3A_596 = arith.constant 2048 : index
    %get3A_597 = vector.load %arg6[%get3A_595, %get3A_596] : memref<1x8128xf32, #tpu.memory_space<vmem>>, vector<1x1024xf32>
    %get3A_598 = vector.shape_cast %get3A_597 : vector<1x1024xf32> to vector<1024xf32>
    %broadcast_in_dim3A_599 = vector.shape_cast %get3A_598 : vector<1024xf32> to vector<1x1024xf32>
    %add3A_600 = vector.broadcast %broadcast_in_dim3A_599 : vector<1x1024xf32> to vector<4x1024xf32>
    %add3A_601 = arith.addf %dot_general3A_594, %add3A_600 : vector<4x1024xf32>
    %swap3A_602 = arith.constant 0 : index
    %swap3A_603 = arith.constant 2048 : index
    %swap3A_604 = vector.load %arg7[%swap3A_602, %swap3A_603] : memref<4x8128xf32, #tpu.memory_space<vmem>>, vector<4x1024xf32>
    tpu.vector_store %arg7[%swap3A_602, %swap3A_603], %add3A_601 {strides = array<i32>} : memref<4x8128xf32, #tpu.memory_space<vmem>>, vector<4x1024xf32>,
    %dma_wait3A_605 = arith.constant 9 : i32
    %dma_wait3A_606 = tpu.memref_slice %arg10[%dma_wait3A_605] : memref<14x!tpu.dma_semaphore, #tpu.memory_space<semaphore_mem>> -> memref<1x!tpu.dma_semaphore, #tpu.memory_space<semaphore_mem>>
    %dma_wait3A_607 = tpu.memref_squeeze %dma_wait3A_606 : memref<1x!tpu.dma_semaphore, #tpu.memory_space<semaphore_mem>> -> memref<!tpu.dma_semaphore, #tpu.memory_space<semaphore_mem>>
    %dma_wait3A_608 = arith.constant 0 : i32
    %dma_wait3A_609 = arith.constant 3072 : i32
    %dma_wait3A_610 = tpu.memref_slice %arg9[%dma_wait3A_608, %dma_wait3A_609] : memref<256x8128xf32, #tpu.memory_space<vmem>> -> memref<256x1024xf32, #tpu.memory_space<vmem>>
    %dma_wait3A_611 = arith.constant 0 : i32
    %dma_wait3A_612 = arith.constant 3072 : i32
    %dma_wait3A_613 = tpu.memref_slice %arg5[%dma_wait3A_611, %dma_wait3A_612] : memref<256x8128xf32, #tpu.memory_space<hbm>> -> memref<256x1024xf32, #tpu.memory_space<hbm>>
    tpu.wait_dma2 semaphore(%dma_wait3A_607 : memref<!tpu.dma_semaphore, #tpu.memory_space<semaphore_mem>>) src(%dma_wait3A_613 : memref<256x1024xf32, #tpu.memory_space<hbm>>) dst(%dma_wait3A_610 : memref<256x1024xf32, #tpu.memory_space<vmem>>)
    %get3A_614 = arith.constant 0 : index
    %get3A_615 = arith.constant 3072 : index
    %get3A_616 = vector.load %arg9[%get3A_614, %get3A_615] : memref<256x8128xf32, #tpu.memory_space<vmem>>, vector<256x1024xf32>
    %dot_general3A_617 = arith.constant dense<0.000000e+00> : vector<4x1024xf32>
    %dot_general3A_618 = tpu.matmul %add3A_533, %get3A_616, %dot_general3A_617 {dimension_numbers = #tpu.dot_dimension_numbers<[1], [0], [0], [1], [0, 0, 1, 1], [], []>, transpose_lhs_hint = false} : vector<4x256xf32>, vector<256x1024xf32>, vector<4x1024xf32> -> vector<4x1024xf32>
    %get3A_619 = arith.constant 0 : index
    %get3A_620 = arith.constant 3072 : index
    %get3A_621 = vector.load %arg6[%get3A_619, %get3A_620] : memref<1x8128xf32, #tpu.memory_space<vmem>>, vector<1x1024xf32>
    %get3A_622 = vector.shape_cast %get3A_621 : vector<1x1024xf32> to vector<1024xf32>
    %broadcast_in_dim3A_623 = vector.shape_cast %get3A_622 : vector<1024xf32> to vector<1x1024xf32>
    %add3A_624 = vector.broadcast %broadcast_in_dim3A_623 : vector<1x1024xf32> to vector<4x1024xf32>
    %add3A_625 = arith.addf %dot_general3A_618, %add3A_624 : vector<4x1024xf32>
    %swap3A_626 = arith.constant 0 : index
    %swap3A_627 = arith.constant 3072 : index
    %swap3A_628 = vector.load %arg7[%swap3A_626, %swap3A_627] : memref<4x8128xf32, #tpu.memory_space<vmem>>, vector<4x1024xf32>
    tpu.vector_store %arg7[%swap3A_626, %swap3A_627], %add3A_625 {strides = array<i32>} : memref<4x8128xf32, #tpu.memory_space<vmem>>, vector<4x1024xf32>,
    %dma_wait3A_629 = arith.constant 10 : i32
    %dma_wait3A_630 = tpu.memref_slice %arg10[%dma_wait3A_629] : memref<14x!tpu.dma_semaphore, #tpu.memory_space<semaphore_mem>> -> memref<1x!tpu.dma_semaphore, #tpu.memory_space<semaphore_mem>>
    %dma_wait3A_631 = tpu.memref_squeeze %dma_wait3A_630 : memref<1x!tpu.dma_semaphore, #tpu.memory_space<semaphore_mem>> -> memref<!tpu.dma_semaphore, #tpu.memory_space<semaphore_mem>>
    %dma_wait3A_632 = arith.constant 0 : i32
    %dma_wait3A_633 = arith.constant 4096 : i32
    %dma_wait3A_634 = tpu.memref_slice %arg9[%dma_wait3A_632, %dma_wait3A_633] : memref<256x8128xf32, #tpu.memory_space<vmem>> -> memref<256x1024xf32, #tpu.memory_space<vmem>>
    %dma_wait3A_635 = arith.constant 0 : i32
    %dma_wait3A_636 = arith.constant 4096 : i32
    %dma_wait3A_637 = tpu.memref_slice %arg5[%dma_wait3A_635, %dma_wait3A_636] : memref<256x8128xf32, #tpu.memory_space<hbm>> -> memref<256x1024xf32, #tpu.memory_space<hbm>>
    tpu.wait_dma2 semaphore(%dma_wait3A_631 : memref<!tpu.dma_semaphore, #tpu.memory_space<semaphore_mem>>) src(%dma_wait3A_637 : memref<256x1024xf32, #tpu.memory_space<hbm>>) dst(%dma_wait3A_634 : memref<256x1024xf32, #tpu.memory_space<vmem>>)
    %get3A_638 = arith.constant 0 : index
    %get3A_639 = arith.constant 4096 : index
    %get3A_640 = vector.load %arg9[%get3A_638, %get3A_639] : memref<256x8128xf32, #tpu.memory_space<vmem>>, vector<256x1024xf32>
    %dot_general3A_641 = arith.constant dense<0.000000e+00> : vector<4x1024xf32>
    %dot_general3A_642 = tpu.matmul %add3A_533, %get3A_640, %dot_general3A_641 {dimension_numbers = #tpu.dot_dimension_numbers<[1], [0], [0], [1], [0, 0, 1, 1], [], []>, transpose_lhs_hint = false} : vector<4x256xf32>, vector<256x1024xf32>, vector<4x1024xf32> -> vector<4x1024xf32>
    %get3A_643 = arith.constant 0 : index
    %get3A_644 = arith.constant 4096 : index
    %get3A_645 = vector.load %arg6[%get3A_643, %get3A_644] : memref<1x8128xf32, #tpu.memory_space<vmem>>, vector<1x1024xf32>
    %get3A_646 = vector.shape_cast %get3A_645 : vector<1x1024xf32> to vector<1024xf32>
    %broadcast_in_dim3A_647 = vector.shape_cast %get3A_646 : vector<1024xf32> to vector<1x1024xf32>
    %add3A_648 = vector.broadcast %broadcast_in_dim3A_647 : vector<1x1024xf32> to vector<4x1024xf32>
    %add3A_649 = arith.addf %dot_general3A_642, %add3A_648 : vector<4x1024xf32>
    %swap3A_650 = arith.constant 0 : index
    %swap3A_651 = arith.constant 4096 : index
    %swap3A_652 = vector.load %arg7[%swap3A_650, %swap3A_651] : memref<4x8128xf32, #tpu.memory_space<vmem>>, vector<4x1024xf32>
    tpu.vector_store %arg7[%swap3A_650, %swap3A_651], %add3A_649 {strides = array<i32>} : memref<4x8128xf32, #tpu.memory_space<vmem>>, vector<4x1024xf32>,
    %dma_wait3A_653 = arith.constant 11 : i32
    %dma_wait3A_654 = tpu.memref_slice %arg10[%dma_wait3A_653] : memref<14x!tpu.dma_semaphore, #tpu.memory_space<semaphore_mem>> -> memref<1x!tpu.dma_semaphore, #tpu.memory_space<semaphore_mem>>
    %dma_wait3A_655 = tpu.memref_squeeze %dma_wait3A_654 : memref<1x!tpu.dma_semaphore, #tpu.memory_space<semaphore_mem>> -> memref<!tpu.dma_semaphore, #tpu.memory_space<semaphore_mem>>
    %dma_wait3A_656 = arith.constant 0 : i32
    %dma_wait3A_657 = arith.constant 5120 : i32
    %dma_wait3A_658 = tpu.memref_slice %arg9[%dma_wait3A_656, %dma_wait3A_657] : memref<256x8128xf32, #tpu.memory_space<vmem>> -> memref<256x1024xf32, #tpu.memory_space<vmem>>
    %dma_wait3A_659 = arith.constant 0 : i32
    %dma_wait3A_660 = arith.constant 5120 : i32
    %dma_wait3A_661 = tpu.memref_slice %arg5[%dma_wait3A_659, %dma_wait3A_660] : memref<256x8128xf32, #tpu.memory_space<hbm>> -> memref<256x1024xf32, #tpu.memory_space<hbm>>
    tpu.wait_dma2 semaphore(%dma_wait3A_655 : memref<!tpu.dma_semaphore, #tpu.memory_space<semaphore_mem>>) src(%dma_wait3A_661 : memref<256x1024xf32, #tpu.memory_space<hbm>>) dst(%dma_wait3A_658 : memref<256x1024xf32, #tpu.memory_space<vmem>>)
    %get3A_662 = arith.constant 0 : index
    %get3A_663 = arith.constant 5120 : index
    %get3A_664 = vector.load %arg9[%get3A_662, %get3A_663] : memref<256x8128xf32, #tpu.memory_space<vmem>>, vector<256x1024xf32>
    %dot_general3A_665 = arith.constant dense<0.000000e+00> : vector<4x1024xf32>
    %dot_general3A_666 = tpu.matmul %add3A_533, %get3A_664, %dot_general3A_665 {dimension_numbers = #tpu.dot_dimension_numbers<[1], [0], [0], [1], [0, 0, 1, 1], [], []>, transpose_lhs_hint = false} : vector<4x256xf32>, vector<256x1024xf32>, vector<4x1024xf32> -> vector<4x1024xf32>
    %get3A_667 = arith.constant 0 : index
    %get3A_668 = arith.constant 5120 : index
    %get3A_669 = vector.load %arg6[%get3A_667, %get3A_668] : memref<1x8128xf32, #tpu.memory_space<vmem>>, vector<1x1024xf32>
    %get3A_670 = vector.shape_cast %get3A_669 : vector<1x1024xf32> to vector<1024xf32>
    %broadcast_in_dim3A_671 = vector.shape_cast %get3A_670 : vector<1024xf32> to vector<1x1024xf32>
    %add3A_672 = vector.broadcast %broadcast_in_dim3A_671 : vector<1x1024xf32> to vector<4x1024xf32>
    %add3A_673 = arith.addf %dot_general3A_666, %add3A_672 : vector<4x1024xf32>
    %swap3A_674 = arith.constant 0 : index
    %swap3A_675 = arith.constant 5120 : index
    %swap3A_676 = vector.load %arg7[%swap3A_674, %swap3A_675] : memref<4x8128xf32, #tpu.memory_space<vmem>>, vector<4x1024xf32>
    tpu.vector_store %arg7[%swap3A_674, %swap3A_675], %add3A_673 {strides = array<i32>} : memref<4x8128xf32, #tpu.memory_space<vmem>>, vector<4x1024xf32>,
    %dma_wait3A_677 = arith.constant 12 : i32
    %dma_wait3A_678 = tpu.memref_slice %arg10[%dma_wait3A_677] : memref<14x!tpu.dma_semaphore, #tpu.memory_space<semaphore_mem>> -> memref<1x!tpu.dma_semaphore, #tpu.memory_space<semaphore_mem>>
    %dma_wait3A_679 = tpu.memref_squeeze %dma_wait3A_678 : memref<1x!tpu.dma_semaphore, #tpu.memory_space<semaphore_mem>> -> memref<!tpu.dma_semaphore, #tpu.memory_space<semaphore_mem>>
    %dma_wait3A_680 = arith.constant 0 : i32
    %dma_wait3A_681 = arith.constant 6144 : i32
    %dma_wait3A_682 = tpu.memref_slice %arg9[%dma_wait3A_680, %dma_wait3A_681] : memref<256x8128xf32, #tpu.memory_space<vmem>> -> memref<256x1024xf32, #tpu.memory_space<vmem>>
    %dma_wait3A_683 = arith.constant 0 : i32
    %dma_wait3A_684 = arith.constant 6144 : i32
    %dma_wait3A_685 = tpu.memref_slice %arg5[%dma_wait3A_683, %dma_wait3A_684] : memref<256x8128xf32, #tpu.memory_space<hbm>> -> memref<256x1024xf32, #tpu.memory_space<hbm>>
    tpu.wait_dma2 semaphore(%dma_wait3A_679 : memref<!tpu.dma_semaphore, #tpu.memory_space<semaphore_mem>>) src(%dma_wait3A_685 : memref<256x1024xf32, #tpu.memory_space<hbm>>) dst(%dma_wait3A_682 : memref<256x1024xf32, #tpu.memory_space<vmem>>)
    %get3A_686 = arith.constant 0 : index
    %get3A_687 = arith.constant 6144 : index
    %get3A_688 = vector.load %arg9[%get3A_686, %get3A_687] : memref<256x8128xf32, #tpu.memory_space<vmem>>, vector<256x1024xf32>
    %dot_general3A_689 = arith.constant dense<0.000000e+00> : vector<4x1024xf32>
    %dot_general3A_690 = tpu.matmul %add3A_533, %get3A_688, %dot_general3A_689 {dimension_numbers = #tpu.dot_dimension_numbers<[1], [0], [0], [1], [0, 0, 1, 1], [], []>, transpose_lhs_hint = false} : vector<4x256xf32>, vector<256x1024xf32>, vector<4x1024xf32> -> vector<4x1024xf32>
    %get3A_691 = arith.constant 0 : index
    %get3A_692 = arith.constant 6144 : index
    %get3A_693 = vector.load %arg6[%get3A_691, %get3A_692] : memref<1x8128xf32, #tpu.memory_space<vmem>>, vector<1x1024xf32>
    %get3A_694 = vector.shape_cast %get3A_693 : vector<1x1024xf32> to vector<1024xf32>
    %broadcast_in_dim3A_695 = vector.shape_cast %get3A_694 : vector<1024xf32> to vector<1x1024xf32>
    %add3A_696 = vector.broadcast %broadcast_in_dim3A_695 : vector<1x1024xf32> to vector<4x1024xf32>
    %add3A_697 = arith.addf %dot_general3A_690, %add3A_696 : vector<4x1024xf32>
    %swap3A_698 = arith.constant 0 : index
    %swap3A_699 = arith.constant 6144 : index
    %swap3A_700 = vector.load %arg7[%swap3A_698, %swap3A_699] : memref<4x8128xf32, #tpu.memory_space<vmem>>, vector<4x1024xf32>
    tpu.vector_store %arg7[%swap3A_698, %swap3A_699], %add3A_697 {strides = array<i32>} : memref<4x8128xf32, #tpu.memory_space<vmem>>, vector<4x1024xf32>,
    %dma_wait3A_701 = arith.constant 13 : i32
    %dma_wait3A_702 = tpu.memref_slice %arg10[%dma_wait3A_701] : memref<14x!tpu.dma_semaphore, #tpu.memory_space<semaphore_mem>> -> memref<1x!tpu.dma_semaphore, #tpu.memory_space<semaphore_mem>>
    %dma_wait3A_703 = tpu.memref_squeeze %dma_wait3A_702 : memref<1x!tpu.dma_semaphore, #tpu.memory_space<semaphore_mem>> -> memref<!tpu.dma_semaphore, #tpu.memory_space<semaphore_mem>>
    %dma_wait3A_704 = arith.constant 0 : i32
    %dma_wait3A_705 = arith.constant 7168 : i32
    %dma_wait3A_706 = tpu.memref_slice %arg9[%dma_wait3A_704, %dma_wait3A_705] : memref<256x8128xf32, #tpu.memory_space<vmem>> -> memref<256x960xf32, #tpu.memory_space<vmem>>
    %dma_wait3A_707 = arith.constant 0 : i32
    %dma_wait3A_708 = arith.constant 7168 : i32
    %dma_wait3A_709 = tpu.memref_slice %arg5[%dma_wait3A_707, %dma_wait3A_708] : memref<256x8128xf32, #tpu.memory_space<hbm>> -> memref<256x960xf32, #tpu.memory_space<hbm>>
    tpu.wait_dma2 semaphore(%dma_wait3A_703 : memref<!tpu.dma_semaphore, #tpu.memory_space<semaphore_mem>>) src(%dma_wait3A_709 : memref<256x960xf32, #tpu.memory_space<hbm>>) dst(%dma_wait3A_706 : memref<256x960xf32, #tpu.memory_space<vmem>>)
    %get3A_710 = arith.constant 0 : index
    %get3A_711 = arith.constant 7168 : index
    %get3A_712 = vector.load %arg9[%get3A_710, %get3A_711] : memref<256x8128xf32, #tpu.memory_space<vmem>>, vector<256x960xf32>
    %dot_general3A_713 = arith.constant dense<0.000000e+00> : vector<4x960xf32>
    %dot_general3A_714 = tpu.matmul %add3A_533, %get3A_712, %dot_general3A_713 {dimension_numbers = #tpu.dot_dimension_numbers<[1], [0], [0], [1], [0, 0, 1, 1], [], []>, transpose_lhs_hint = false} : vector<4x256xf32>, vector<256x960xf32>, vector<4x960xf32> -> vector<4x960xf32>
    %get3A_715 = arith.constant 0 : index
    %get3A_716 = arith.constant 7168 : index
    %get3A_717 = vector.load %arg6[%get3A_715, %get3A_716] : memref<1x8128xf32, #tpu.memory_space<vmem>>, vector<1x960xf32>
    %get3A_718 = vector.shape_cast %get3A_717 : vector<1x960xf32> to vector<960xf32>
    %broadcast_in_dim3A_719 = vector.shape_cast %get3A_718 : vector<960xf32> to vector<1x960xf32>
    %add3A_720 = vector.broadcast %broadcast_in_dim3A_719 : vector<1x960xf32> to vector<4x960xf32>
    %add3A_721 = arith.addf %dot_general3A_714, %add3A_720 : vector<4x960xf32>
    %swap3A_722 = arith.constant 0 : index
    %swap3A_723 = arith.constant 7168 : index
    %swap3A_724 = vector.load %arg7[%swap3A_722, %swap3A_723] : memref<4x8128xf32, #tpu.memory_space<vmem>>, vector<4x960xf32>
    tpu.vector_store %arg7[%swap3A_722, %swap3A_723], %add3A_721 {strides = array<i32>} : memref<4x8128xf32, #tpu.memory_space<vmem>>, vector<4x960xf32>,
    return
  }
}

</mosaic_0001>

<sc_bundles>
// kernel: kernel.5.cloned.1.call-start
scs
__scs_entry_jumppad:
0x0: {  	(pc) =	sbr.rel $0x88, $3  }
0x1: {  	(tag) =	ssettag $0x0;
	lr =	simm.s32 $0x1  }
0x2: {  	[smem:$0x3F94] =	sst lr;
	_ =	strace $0xD0000000  }
0x3: {  	_ = 	snop  }
0x4: {  	_ = 	snop  }
0x5: {  	_ = 	snop  }
0x6: {  	_ = 	snop  }
0x7: {  	_ = 	snop  }
__scs_overlays_trampoline_lowered:
0x8: {  	[smem:$0x3FA3] =	sst s0  }
0x9: {  	[smem:$0x3FA4] =	sst s1  }
0xa: {  	[smem:$0x3FA5] =	sst s2  }
0xb: {  	[smem:$0x3FA6] =	sst s3  }
0xc: {  	[smem:$0x3FA7] =	sst s4  }
0xd: {  	[smem:$0x3FA8] =	sst s5  }
0xe: {  	[smem:$0x3FA9] =	sst s6  }
0xf: {  	[smem:$0x3FAA] =	sst s7  }
0x10: {  	[smem:$0x3FAB] =	sst s8  }
0x11: {  	[smem:$0x3FAC] =	sst s9;
	s0 =	simm.s32 @!p0 $0x0  }
0x12: {  	s1 =	sld [smem:$0x3F92];
	s0 =	simm.s32 @p0 $0x1  }
0x13: {  	[smem:$0x3FAD] =	sst s0;
	s0 =	simm.s32 @!p1 $0x0  }
0x14: {  	s2 =	sld [smem:$0x3F91];
	s0 =	simm.s32 @p1 $0x1  }
0x15: {  	[smem:$0x3FAE] =	sst s0;
	s0 =	simm.s32 @!p2 $0x0  }
0x16: {  	s3 =	sld [smem:$0x3FDB];
	s0 =	simm.s32 @p2 $0x1  }
0x17: {  	s4 =	simm.s32 $0x1BF5;
	[smem:$0x3FB0] =	sst s0  }
0x18: {  	s0 =	sld [smem:$0x3F93];
	_ =	swait.ge [sflag:s4], $0x0  }
0x19: {  	s7 =	sld [smem:$0x3F94]  }
0x1a: {  	s8 =	sadd.s32 $0xFFFFE003, lr  }
0x1b: {  	s9 =	sadd.s32 $0xFFFFFEF7, lr;
	s5 =	simm.s32 $0xFFFFFFFF;
	p2 =	slt.u32 s8, $0xFFFFF086  }
0x1c: {  	p1 =	slt.u32 s9, $0xF7A;
	s5 =	simm.s32 @!p2 $0x0  }
0x1d: {  	s5 =	simm.s32 @p1 $0x1;
	p0 =	seq.s32 s7, s2  }
0x1e: {  	s7 =	smul.u32 @!p0 $0xF7A, s2;
	p2 =	seq.s32 @!p0 s5, $0x0  }
0x1f: {  	s9 =	smul.u32 $0xF7A, s1;
	s8 =	simm.s32 @!p0 $0x1BF5;
	p2 =	por !p2, p0  }
0x20: {  	[sflag:s8] =	ssyncset.s32 @!p0 $0xFFFFF086;
	s6 =	sadd.s32 @!p0 s3, s7;
	s7 =	simm.s32 @!p0 $0x108  }
0x21: {  	s3 =	sadd.s32 s3, s9;
	s6 =	sadd.s32 @!p0 $0x88, s6;
	s7 =	simm.s32 @p2 $0x1082  }
0x22: {  	[simem:s7], [sflag:s8] =	dma.local @!p0 [hbm:s6], $0xF7A  }
0x23: {  	s9 =	sor.u32 $0xD0000000, s2;
	s6 =	simm.s32 $0x108;
	_ =	swait.ge @!p0 [sflag:s8], $0x0  }
0x24: {  	s3 =	sadd.s32 $0x88, s3;
	s6 =	simm.s32 @!p1 $0x1082;
	[sflag:s4] =	ssyncset.s32 $0xFFFFF086  }
0x25: {  	[simem:s6], [sflag:s4] =	dma.local [hbm:s3], $0xF7A  }
0x26: {  	[smem:$0x3F94] =	sst s1;
	(tag) =	ssettag s2;
	_ =	strace s9  }
0x27: {  	s1 =	sld [smem:$0x3FA4]  }
0x28: {  	s2 =	sld [smem:$0x3FA5]  }
0x29: {  	s4 =	sld [smem:$0x3FA7]  }
0x2a: {  	p0 =	seq.s32 s5, $0x0;
	s5 =	sld [smem:$0x3FA8]  }
0x2b: {  	s6 =	sld [smem:$0x3FA9]  }
0x2c: {  	s7 =	sld [smem:$0x3FAA]  }
0x2d: {  	s3 =	simm.s32 $0x108;
	s8 =	sld [smem:$0x3FAB]  }
0x2e: {  	s3 =	simm.s32 @!p0 $0x1082;
	s9 =	sld [smem:$0x3FAC]  }
0x2f: {  	lr =	sadd.s32 s0, s3;
	s0 =	sld [smem:$0x3FA3]  }
0x30: {  	s3 =	sld [smem:$0x3FA6]  }
0x31: {  	[smem:$0x3FAF] =	sst s10  }
0x32: {  	s10 =	sld [smem:$0x3FAD];
	_ =	sdelay $0x3  }
0x33: {  	p0 =	seq.s32 s10, $0x1;
	s10 =	sld [smem:$0x3FAF];
	_ =	sdelay $0x3  }
0x34: {  	[smem:$0x3FAF] =	sst s10  }
0x35: {  	s10 =	sld [smem:$0x3FAE];
	_ =	sdelay $0x3  }
0x36: {  	p1 =	seq.s32 s10, $0x1;
	s10 =	sld [smem:$0x3FAF];
	_ =	sdelay $0x3  }
0x37: {  	[smem:$0x3FAF] =	sst s10  }
0x38: {  	s10 =	sld [smem:$0x3FB0]  }
0x39: {  	_ = 	snop;
	(pc) =	sbr.ind lr, $3  }
0x3a: {  	_ = 	snop  }
0x3b: {  	_ = 	snop  }
0x3c: {  	p2 =	seq.s32 s10, $0x1;
	s10 =	sld [smem:$0x3FAF]  }
0x3d: {  	_ =	shalt  }
0x3e: {  	_ =	shalt  }
0x3f: {  	_ =	shalt  }
0x40: {  	_ =	shalt  }
0x41: {  	_ =	shalt  }
0x42: {  	_ =	shalt  }
0x43: {  	_ =	shalt  }
0x44: {  	_ =	shalt  }
0x45: {  	_ =	shalt  }
0x46: {  	_ =	shalt  }
0x47: {  	_ =	shalt  }
0x48: {  	_ =	shalt  }
0x49: {  	_ =	shalt  }
0x4a: {  	_ =	shalt  }
0x4b: {  	_ =	shalt  }
0x4c: {  	_ =	shalt  }
0x4d: {  	_ =	shalt  }
0x4e: {  	_ =	shalt  }
0x4f: {  	_ =	shalt  }
0x50: {  	_ =	shalt  }
0x51: {  	_ =	shalt  }
0x52: {  	_ =	shalt  }
0x53: {  	_ =	shalt  }
0x54: {  	_ =	shalt  }
0x55: {  	_ =	shalt  }
0x56: {  	_ =	shalt  }
0x57: {  	_ =	shalt  }
0x58: {  	_ =	shalt  }
0x59: {  	_ =	shalt  }
0x5a: {  	_ =	shalt  }
0x5b: {  	_ =	shalt  }
0x5c: {  	_ =	shalt  }
0x5d: {  	_ =	shalt  }
0x5e: {  	_ =	shalt  }
0x5f: {  	_ =	shalt  }
0x60: {  	_ =	shalt  }
0x61: {  	_ =	shalt  }
0x62: {  	_ =	shalt  }
0x63: {  	_ =	shalt  }
0x64: {  	_ =	shalt  }
0x65: {  	_ =	shalt  }
0x66: {  	_ =	shalt  }
0x67: {  	_ =	shalt  }
0x68: {  	_ =	shalt  }
0x69: {  	_ =	shalt  }
0x6a: {  	_ =	shalt  }
0x6b: {  	_ =	shalt  }
0x6c: {  	_ =	shalt  }
0x6d: {  	_ =	shalt  }
0x6e: {  	_ =	shalt  }
0x6f: {  	_ =	shalt  }
0x70: {  	_ =	shalt  }
0x71: {  	_ =	shalt  }
0x72: {  	_ =	shalt  }
0x73: {  	_ =	shalt  }
0x74: {  	_ =	shalt  }
0x75: {  	_ =	shalt  }
0x76: {  	_ =	shalt  }
0x77: {  	_ =	shalt  }
0x78: {  	_ =	shalt  }
0x79: {  	_ =	shalt  }
0x7a: {  	_ =	shalt  }
0x7b: {  	_ =	shalt  }
0x7c: {  	_ =	shalt  }
0x7d: {  	_ =	shalt  }
0x7e: {  	_ =	shalt  }
0x7f: {  	_ =	shalt  }
0x80: {  	_ =	shalt  }
0x81: {  	_ =	shalt  }
0x82: {  	_ =	shalt  }
0x83: {  	_ =	shalt  }
0x84: {  	_ =	shalt  }
0x85: {  	_ =	shalt  }
0x86: {  	_ =	shalt  }
0x87: {  	_ =	shalt  }
.Lfunc_end0:
.L_simem_size_0:
called_computation_lowered:
.L_overlay_start_0:
0x88: {  	s2 =	sld [smem:$0x3FD9]  }
0x89: {  	s3 =	sld [smem:$0x3FFE];
	_ =	sdelay $0x1  }
0x8a: {  	s1 =	srdreg.scid  }
0x8b: {  	s0 =	sand.u32 $0x1, s1  }
0x8c: {  	s17 =	sshll.u32 s0, $0xA;
	s2 =	sadd.s32 s3, s2  }
0x8d: {  	s2 =	sadd.s32 s2, s17  }
0x8e: {  	[smem:$0x3FBB] =	sst s2  }
0x8f: {  	_ = 	snop  }
0x90: {  	s2 =	sld [smem:$0x3FC7];
	(tm) =	ssettm $0x1  }
0x91: {  	s18 =	sld [smem:$0x3FFB];
	_ =	sdelay $0x3  }
0x92: {  	_ =	strace s18  }
0x93: {  	s3 =	sld [smem:$0x3FFC];
	_ =	sdelay $0x3  }
0x94: {  	_ =	strace s3  }
0x95: {  	s3 =	sld [smem:$0x3FFD];
	_ =	sdelay $0x3  }
0x96: {  	_ =	strace s3  }
0x97: {  	_ =	strace $0x8FFFFFFF  }
0x98: {  	s19 =	sld [smem:$0x3FDB];
	_ =	sdelay $0x1  }
0x99: {  	s4 =	simm.s32 $_scs_section_size  }
0x9a: {  	s5 =	simm.s32 $_size__tile_overlayer_lowered;
	s6 =	simm.s32 $_tile_overlayer_lowered  }
0x9b: {  	s22 =	simm.s32 $0x1BFF;
	s21 =	sshll.u32 s6, $0x1;
	s3 =	sadd.s32 s4, s19  }
0x9c: {  	s7 =	simm.s32 $0x0;
	s20 =	sshll.u32 s5, $0x1;
	s5 =	sadd.s32 s21, s3  }
0x9d: {  	[timem:s7], [sflag:s22] =	dma.local [hbm:s5], s20  }
0x9e: {  	_ =	swait.ge [sflag:s22], s20  }
0x9f: {  	s4 =	ssub.s32 $0x0, s20;
	[sflag:s22] =	ssyncset.done $0x0  }
0xa0: {  	[sflag:s22] =	ssyncadd.s32 s4;
	_ =	sdelay $0x1  }
0xa1: {  	s23 =	simm.s32 $0x1B8B  }
0xa2: {  	_ =	swait.ge [sflag:s23], $0x1  }
0xa3: {  	[sflag:s23] =	ssyncset.done $0x0  }
0xa4: {  	s25 =	simm.s32 $0x1B8E;
	s24 =	sld [smem:$0x3FFE];
	[sflag:s23] =	ssyncadd.s32 $0xFFFFFFFF  }
0xa5: {  	s26 =	simm.s32 $execute0_lowered;
	[smem:$0x3FD2] =	sst s25  }
0xa6: {  	s5 =	sshll.u32 s26, $0x1;
	_ =	strace $0x80000046;
	[dreg:$0x1] =	wrdreg $0xFFFFFFFF  }
0xa7: {  	s28 =	simm.s32 $_size_execute0_lowered;
	s3 =	sadd.s32 s3, s5;
	[dreg:$0x0] =	wrdreg $0x0  }
0xa8: {  	s5 =	sshll.u32 s28, $0x1;
	[dreg:$0x2] =	wrdreg s3  }
0xa9: {  	[dreg:$0x3] =	wrdreg s5  }
0xaa: {  	[dreg:$0x4] =	wrdreg $0xC0  }
0xab: {  	_ =	task [dreg:s7], $0x5FFFF  }
0xac: {  	[dreg:$0x1] =	wrdreg $0xFFFFFFFF  }
0xad: {  	[dreg:$0x0] =	wrdreg $0x60  }
0xae: {  	[dreg:$0x2] =	wrdreg s2  }
0xaf: {  	[dreg:$0x3] =	wrdreg s24  }
0xb0: {  	[dreg:$0x4] =	wrdreg $0x6000  }
0xb1: {  	[dreg:$0x5] =	wrdreg $0x9  }
0xb2: {  	_ =	task.clear_ibuf [dreg:s7], $0x6FFFF;
	_ =	strace $0x90000046  }
0xb3: {  	s29 =	simm.s32 $0x9;
	_ =	strace $0x80000048  }
0xb4: {  	_ =	swait.ge [sflag:s29], $0x1  }
0xb5: {  	[sflag:s29] =	ssyncadd.s32 $0xFFFFFFFF  }
0xb6: {  	_ =	strace $0x90000048  }
0xb7: {  	_ =	sfence  }
0xb8: {  	s30 =	sld [smem:$0x0];
	_ =	sdelay $0x2  }
0xb9: {  	s31 =	sshll.u32 s1, $0xD;
	s1 =	sshrl.u32 s1, $0x2  }
0xba: {  	s3 =	sand.u32 $0x4000, s31;
	s1 =	sadd.s32 s1, s30  }
0xbb: {  	s0 =	sor.u32 s3, s0;
	s1 =	sshll.u32 s1, $0x11  }
0xbc: {  	s0 =	sor.u32 s1, s0  }
0xbd: {  	s0 =	sadd.s32 $0x8F2B, s0  }
0xbe: {  	[sflag:s0] =	ssyncadd.remote.s32 $0x1  }
0xbf: {  	_ =	sfence.sel $0xFFFF  }
0xc0: {  	[dreg:$0x0] =	wrdreg $0xFFFFFFFF;
	(pc) =	sbr.abs _section_cstart, $3  }
0xc1: {  	[dreg:$0x1] =	wrdreg $0xFFFFFFFF  }
0xc2: {  	_ =	task.clear_ibuf [dreg:s7], $0x2FFFF;
	_ =	strace $0x9FFFFFFF  }
0xc3: {  	(tm) =	ssettm $0x7FFFFFFF  }
tec
execute0_lowered:
.L_overlay_start_1:
0x0: {  	(tag) =	ssettag $0x1  }
0x1: {  	s3 =	rddreg [dreg:$0x0]  }
0x2: {  	s4 =	rddreg [dreg:$0x1]  }
0x3: {  	s1 =	rddreg [dreg:$0x2]  }
0x4: {  	s0 =	rddreg [dreg:$0x3];
	s2 =	simm.s32 $0x0  }
0x5: {  	s5 =	srdreg.scid;
	s7 =	stileid.u32;
	s10 =	simm.s32 $0x80  }
0x6: {  	s11 =	simm.s32 $0x100;
	s12 =	simm.s32 $0x180;
	s14 =	simm.s32 $0x0  }
0x7: {  	[smem:$0x7FF] =	sst s2;
	s5 =	sand.u32 $0x1, s5;
	s8 =	sshll.u32 s7, $0x5  }
0x8: {  	s31 =	sshll.u32 s7, $0xA;
	p0 =	sne.s32 s7, $0x0;
	s7 =	simm.s32 $0x200  }
0x9: {  	_ =	strace $0x80000047;
	s6 =	sshll.u32 s5, $0x4;
	s29 =	ssub.s32 $0x2, s5  }
0xa: {  	s5 =	sshll.u32 s5, $0x9;
	s3 =	sadd.s32 s3, s8;
	s8 =	simm.s32 $0x2  }
0xb: {  	s13 =	sshrl.u32 @!p0 s1, $0x3;
	s6 =	sadd.s32 s6, s4;
	s9 =	sshrl.u32 s29, $0x1  }
0xc: {  	s3 =	sadd.s32 s5, s3;
	s4 =	sadd.s32 s31, s1;
	s30 =	ssub.s32 s29, s9  }
0xd: {  	v0 =	vimm.f32 $0.0e+00;
	v1 =	vimm.f32 $1.000000000e+00;
	s5 =	sadd.s32 $0x600, s6;
	s9 =	simm.s32 $0x1;
	s6 =	smax.u32 s30, $0x1  }
.LBB2_1:
0xe: {  	[tilespmem:s2], [sflag:$0x1] =	stream.linear.gather [hbm4b:s3+s2], $0x100, $0x38;
	[tilespmem:$0xA00] =	vst v63  }
0xf: {  	s15 =	simm.s32 $0x40;
	s16 =	simm.s32 $0x0  }
.LBB2_2:
0x10: {  	p1 =	sne.s32 s15, $0xFC0;
	[tilespmem:s16+$0x200] =	vst v0;
	s16 =	smov.u32 s15;
	s15 =	sadd.s32 $0x40, s15  }
.Ltmp0:
0x11: {  	(pc) =	sbr.rel @p1 .LBB2_2-.Ltmp0, $2  }
0x12: {  	_ =	sdelay $0x2  }
0x13: {  	s16 =	sshra.s32 s16, $0x2  }
0x14: {  	[tilespmem:s16+$0x200] =	vst v0  }
0x15: {  	[spmem:s4] =	stream.linear.scatter [tilespmem:s7], [sflag:$0x2], $0x400, $0x38;
	[tilespmem:$0xA00] =	vst v63  }
0x16: {  	_ =	swait.ge [sflag:s8], $0x400  }
0x17: {  	[sflag:s8] =	ssyncset.done $0x0  }
0x18: {  	[sflag:s8] =	ssyncadd.s32 $0xFFFFFC00  }
0x19: {  	_ =	swait.ge [sflag:s9], $0x100  }
0x1a: {  	[sflag:s9] =	ssyncset.done $0x0  }
0x1b: {  	[sflag:s9] =	ssyncadd.s32 $0xFFFFFF00  }
0x1c: {  	v2 =	vld [tilespmem:$0x0]  }
0x1d: {  	v3 =	vld [tilespmem:$0x80]  }
0x1e: {  	v4 =	vld [tilespmem:$0x10]  }
0x1f: {  	v5 =	vld [tilespmem:$0x90]  }
0x20: {  	v6 =	vld [tilespmem:$0x20]  }
0x21: {  	v7 =	vld [tilespmem:$0xA0]  }
0x22: {  	v8 =	vld [tilespmem:$0x30]  }
0x23: {  	v9 =	vld [tilespmem:$0xB0]  }
0x24: {  	v10 =	vld [tilespmem:$0x40]  }
0x25: {  	v11 =	vld [tilespmem:$0xC0]  }
0x26: {  	v12 =	vld [tilespmem:$0xD0];
	[tilespmem:$0x180] =	vst v1;
	v3 =	vshll.u32 v3, $0x7  }
0x27: {  	v61 =	vld [tilespmem:$0x50];
	[tilespmem:$0x190] =	vst v1;
	v2 =	vadd.s32 v2, v3;
	v3 =	vshll.u32 v5, $0x7  }
0x28: {  	v62 =	vld [tilespmem:$0xE0];
	[tilespmem:$0x100] =	vst v2;
	v2 =	vadd.s32 v4, v3;
	v3 =	vshll.u32 v7, $0x7  }
0x29: {  	v63 =	vld [tilespmem:$0x60];
	[tilespmem:$0x110] =	vst v2;
	v2 =	vadd.s32 v6, v3;
	v3 =	vshll.u32 v9, $0x7  }
0x2a: {  	[tilespmem:$0x120] =	vst v2;
	v2 =	vadd.s32 v8, v3;
	v3 =	vshll.u32 v11, $0x7  }
0x2b: {  	[tilespmem:$0x130] =	vst v2;
	v2 =	vadd.s32 v10, v3;
	v3 =	vshll.u32 v12, $0x7  }
0x2c: {  	[tilespmem:$0x140] =	vst v2;
	v2 =	vadd.s32 v61, v3  }
0x2d: {  	[tilespmem:$0x150] =	vst v2;
	v2 =	vshll.u32 v62, $0x7  }
0x2e: {  	[tilespmem:$0x1A0] =	vst v1;
	v3 =	vld [tilespmem:$0xF0];
	v2 =	vadd.s32 v63, v2  }
0x2f: {  	[tilespmem:$0x160] =	vst v2;
	v2 =	vld [tilespmem:$0x70]  }
0x30: {  	[tilespmem:$0x1B0] =	vst v1  }
0x31: {  	[tilespmem:$0x1C0] =	vst v1  }
0x32: {  	[tilespmem:$0x1D0] =	vst v1  }
0x33: {  	[tilespmem:$0x1E0] =	vst v1;
	v3 =	vshll.u32 v3, $0x7  }
0x34: {  	[tilespmem:$0x1F0] =	vst v1;
	v2 =	vadd.s32 v2, v3  }
0x35: {  	[tilespmem:$0x170] =	vst v2  }
0x36: {  	[bflag:$0x0] =	sbarrier.arrive $0xFFFF  }
0x37: {  	[spmem:s1] =	stream.indirect.scatter.add.f32 [tilespmem:s12], [sflag:$0x2], $0x1, s11, s10, $0xb8;
	[tilespmem:$0xA00] =	vst v63  }
0x38: {  	_ =	swait.ge [sflag:s8], $0x80  }
0x39: {  	s15 =	simm.s32 @!p0 $0x1;
	s16 =	simm.s32 @!p0 $0x20;
	[sflag:s8] =	ssyncset.done $0x0  }
0x3a: {  	s17 =	simm.s32 @!p0 $0x10;
	s14 =	sadd.s32 $0x1, s14;
	[sflag:s8] =	ssyncadd.s32 $0xFFFFFF80  }
0x3b: {  	s18 =	simm.s32 @!p0 $0x1C02;
	p1 =	sne.s32 s14, s6;
	[bflag:$0x0] =	sbarrier.arrive $0xFFFF  }
0x3c: {  	[hbm:s5@s16], [sflag:s18] =	dma.strided @!p0 [spmem:s13@s17], $0x800, s15, $0x10   }
.Ltmp1:
0x3d: {  	_ = 	snop;
	(pc) =	sbr.rel @p1 .LBB2_1-.Ltmp1, $4  }
0x3e: {  	s15 =	simm.s32 @!p0 $0x2  }
0x3f: {  	_ =	swait.ge @!p0 [sflag:s15], $0x800  }
0x40: {  	[sflag:s15] =	ssyncset.done @!p0 $0x0  }
0x41: {  	[sflag:s15] =	ssyncadd.s32 @!p0 $0xFFFFF800  }
0x42: {  	_ =	sfence.sel $0x180000  }
0x43: {  	[bflag:$0x0] =	sbarrier.arrive $0xFFFF  }
0x44: {  	_ =	strace $0x90000047  }
0x45: {  	s0 =	sadd.s32 @!p0 $0x100000, s0;
	[bflag:$0x2] =	sbarrier.arrive $0xFFFF  }
0x46: {  	[sflag:s0] =	ssyncadd.tile.s32 @!p0 $0x1;
	_ =	shalt  }
.Lfunc_end2:
_tile_overlayer_lowered:
.L_overlay_start_2:
0x47: {  	(tag) =	ssettag $0x2  }
0x48: {  	s0 =	rddreg [dreg:$0x0];
	s2 =	stileid.u32  }
0x49: {  	s1 =	rddreg [dreg:$0x1];
	p0 =	sne.s32 s2, $0x0  }
0x4a: {  	s3 =	rddreg [dreg:$0x2];
	[bflag:$0x3] =	sbarrier.arrive $0xFFFF;
	s2 =	simm.s32 @!p0 $0x1C02  }
0x4b: {  	[timem:s3], [sflag:s2] =	dma.local @!p0 [hbm:s0], s1  }
0x4c: {  	s0 =	simm.s32 @!p0 $0x2  }
0x4d: {  	_ =	swait.ge @!p0 [sflag:s0], s1  }
0x4e: {  	s1 =	ssub.s32 @!p0 $0x0, s1;
	[sflag:s0] =	ssyncset.done @!p0 $0x0  }
0x4f: {  	[sflag:s0] =	ssyncadd.s32 @!p0 s1  }
0x50: {  	[bflag:$0x3] =	sbarrier.arrive $0xFFFF  }
0x51: {  	_ =	shalt  }

</sc_bundles>
